<compile_context>
chip_gen: v7x
topology: tpu7x:2x2x1
jax: 0.10.2.dev20260603
libtpu: 0.0.44.dev20260713+nightly
codegen_flags: <defaults>
</compile_context>

<pallas_src>
import functools

import jax
import jax.numpy as jnp
from jax import lax
from jax.experimental import pallas as pl
from jax.experimental.pallas import tpu as pltpu
from jax.experimental.pallas import tpu_sc as plsc

_N = 524288
_NC = 1
_NS = 16
_NW = _NC * _NS
_L = 16
_PER_W = _N // _NW
_NCHUNK = 4
_CHUNK = _PER_W // _NCHUNK
_UNROLL = 16


def _build_sc_clamp():
    mesh = plsc.VectorSubcoreMesh(core_axis_name="c", subcore_axis_name="s", num_cores=1)

    @functools.partial(
        pl.kernel,
        mesh=mesh,
        out_type=jax.ShapeDtypeStruct((_N,), jnp.float32),
        scratch_types=[
            pltpu.VMEM((_PER_W,), jnp.float32),
            pltpu.VMEM((64,), jnp.float32),
        ] + [pltpu.SemaphoreType.DMA] * (_NCHUNK + 2),
    )
    def sc_clamp(x_hbm, vals_hbm, out_hbm, buf, vals_v, *sems):
        in_sems, vsem, osem = sems[:_NCHUNK], sems[_NCHUNK], sems[_NCHUNK + 1]
        wid = lax.axis_index("s") * _NC + lax.axis_index("c")
        base = wid * _PER_W
        vcopy = pltpu.async_copy(vals_hbm, vals_v, vsem)
        in_copies = []
        for c in range(_NCHUNK):
            off = c * _CHUNK
            in_copies.append(pltpu.async_copy(
                x_hbm.at[pl.ds(base + off, _CHUNK)],
                buf.at[pl.ds(off, _CHUNK)], in_sems[c]))
        vcopy.wait()
        lo = jnp.full((_L,), vals_v[pl.ds(0, _L)][0], jnp.float32)
        hi = jnp.full((_L,), vals_v[pl.ds(48, _L)][_L - 1], jnp.float32)

        out_copies = []
        for c in range(_NCHUNK):
            off = c * _CHUNK
            in_copies[c].wait()

            def body(i, carry, off=off):
                o = off + i * (_L * _UNROLL)
                for j in range(_UNROLL):
                    s = pl.ds(o + j * _L, _L)
                    buf[s] = jnp.maximum(jnp.minimum(buf[s], hi), lo)
                return carry

            lax.fori_loop(0, _CHUNK // (_L * _UNROLL), body, 0)
            out_copies.append(pltpu.async_copy(
                buf.at[pl.ds(off, _CHUNK)],
                out_hbm.at[pl.ds(base + off, _CHUNK)], osem))
        for cp in out_copies:
            cp.wait()

    return sc_clamp


_sc_clamp = _build_sc_clamp()


def kernel(tensor_input, values):
    out = _sc_clamp(tensor_input.reshape(_N), values)
    return out.reshape(tensor_input.shape)

# --- scband reference (transcript-rebuilt; emitter-appended) ---
"""Pipeline reference for scband-limit-layer-18648747999269 (READ-ONLY COPY).

The authoritative reference and input builder live on the scoring server;
editing this copy changes nothing except your own understanding.
"""

import jax, jax.numpy as jnp
import numpy as np

# data_dict has zero-padded string keys '00'..'63' mapping to 0.0..6.3.
# The layer sorts the values; keys '00' (min) and '63' (max) give clamp bounds.
_VALUES = np.round(np.arange(64, dtype=np.float64) * 0.1, 1).astype(np.float32)


def setup_inputs(seed: int = 0) -> dict:
    key = jax.random.key(seed)
    tensor_input = jax.random.normal(key, (524288, 1), dtype=jnp.float32)
    values = jnp.asarray(_VALUES)  # sorted lookup-table values (constants in the TF layer)
    return {"tensor_input": tensor_input, "values": values}


def reference(tensor_input, values):
    # max_class = data_dict[max(keys)] ('63' -> 6.3); min_class = data_dict[min(keys)] ('00' -> 0.0)
    max_class = values[-1]
    min_class = values[0]
    min_tf = jnp.minimum(tensor_input, max_class)
    min_tf = jnp.maximum(min_tf, min_class)
    # nearest-bin search (computed by the layer, though its result is not returned)
    diffs = jnp.abs(min_tf - values[None, :])        # [N, V]
    min_index = jnp.argmin(diffs, axis=1)            # [N]
    out = jnp.take(values, min_index, axis=0)        # StaticHashTable lookup: id -> value
    out = jnp.reshape(out, (tensor_input.shape[0], 1))
    # The original layer returns min_tf (the clamped input), not `out`.
    return min_tf

if __name__ == "__main__":
    import jax
    _d = setup_inputs()
    print(jax.jit(kernel)(*tuple(_d.values())))

</pallas_src>

<mosaic_0001>
#map = affine_map<(d0, d1) -> (0)>
module attributes {stable_mosaic.version = 14 : i64} {
  func.func @sc_clamp(%arg0: i32, %arg1: i32, %arg2: memref<524288xf32, #tpu.memory_space<hbm>>, %arg3: memref<64xf32, #tpu.memory_space<hbm>>, %arg4: memref<524288xf32, #tpu.memory_space<hbm>>, %arg5: memref<32768xf32, #tpu.memory_space<vmem>>, %arg6: memref<64xf32, #tpu.memory_space<vmem>>, %arg7: memref<!tpu.dma_semaphore, #tpu.memory_space<semaphore_mem>>, %arg8: memref<!tpu.dma_semaphore, #tpu.memory_space<semaphore_mem>>, %arg9: memref<!tpu.dma_semaphore, #tpu.memory_space<semaphore_mem>>, %arg10: memref<!tpu.dma_semaphore, #tpu.memory_space<semaphore_mem>>, %arg11: memref<!tpu.dma_semaphore, #tpu.memory_space<semaphore_mem>>, %arg12: memref<!tpu.dma_semaphore, #tpu.memory_space<semaphore_mem>>) attributes {dimension_semantics = [#tpu.dimension_semantics<core_parallel>, #tpu.dimension_semantics<subcore_parallel>], iteration_bounds = array<i64: 1, 16>, scalar_prefetch = 0 : i64, scratch_operands = 8 : i64, tpu.core_type = #tpu.core_type<sc_vector_subcore>, window_params = [{transform_indices = #map}, {transform_indices = #map}, {transform_indices = #map}]} {
    %mul3A = arith.constant 1 : i32
    %mul3A_0 = arith.muli %arg1, %mul3A : i32
    %add3A = arith.addi %mul3A_0, %arg0 : i32
    %mul3A_1 = arith.constant 32768 : i32
    %mul3A_2 = arith.muli %add3A, %mul3A_1 : i32
    tpu.enqueue_dma source(%arg3 : memref<64xf32, #tpu.memory_space<hbm>>) target(%arg6 : memref<64xf32, #tpu.memory_space<vmem>>) target_semaphore(%arg11 : memref<!tpu.dma_semaphore, #tpu.memory_space<semaphore_mem>>)
    %add3A_3 = arith.constant 0 : i32
    %add3A_4 = arith.addi %mul3A_2, %add3A_3 : i32
    %dma_start3A = arith.constant 0 : i32
    %dma_start3A_5 = tpu.memref_slice %arg5[%dma_start3A] : memref<32768xf32, #tpu.memory_space<vmem>> -> memref<8192xf32, #tpu.memory_space<vmem>>
    %dma_start3A_6 = tpu.memref_slice %arg2[%add3A_4] : memref<524288xf32, #tpu.memory_space<hbm>> -> memref<8192xf32, #tpu.memory_space<hbm>>
    %dma_start3A_7 = arith.constant 0 : i32
    %dma_start3A_8 = tpu.memref_slice %arg5[%dma_start3A_7] : memref<32768xf32, #tpu.memory_space<vmem>> -> memref<8192xf32, #tpu.memory_space<vmem>>
    %dma_start3A_9 = tpu.memref_slice %arg2[%add3A_4] : memref<524288xf32, #tpu.memory_space<hbm>> -> memref<8192xf32, #tpu.memory_space<hbm>>
    tpu.enqueue_dma source(%dma_start3A_9 : memref<8192xf32, #tpu.memory_space<hbm>>) target(%dma_start3A_8 : memref<8192xf32, #tpu.memory_space<vmem>>) target_semaphore(%arg7 : memref<!tpu.dma_semaphore, #tpu.memory_space<semaphore_mem>>)
    %add3A_10 = arith.constant 8192 : i32
    %add3A_11 = arith.addi %mul3A_2, %add3A_10 : i32
    %dma_start3A_12 = arith.constant 8192 : i32
    %dma_start3A_13 = tpu.memref_slice %arg5[%dma_start3A_12] : memref<32768xf32, #tpu.memory_space<vmem>> -> memref<8192xf32, #tpu.memory_space<vmem>>
    %dma_start3A_14 = tpu.memref_slice %arg2[%add3A_11] : memref<524288xf32, #tpu.memory_space<hbm>> -> memref<8192xf32, #tpu.memory_space<hbm>>
    %dma_start3A_15 = arith.constant 8192 : i32
    %dma_start3A_16 = tpu.memref_slice %arg5[%dma_start3A_15] : memref<32768xf32, #tpu.memory_space<vmem>> -> memref<8192xf32, #tpu.memory_space<vmem>>
    %dma_start3A_17 = tpu.memref_slice %arg2[%add3A_11] : memref<524288xf32, #tpu.memory_space<hbm>> -> memref<8192xf32, #tpu.memory_space<hbm>>
    tpu.enqueue_dma source(%dma_start3A_17 : memref<8192xf32, #tpu.memory_space<hbm>>) target(%dma_start3A_16 : memref<8192xf32, #tpu.memory_space<vmem>>) target_semaphore(%arg8 : memref<!tpu.dma_semaphore, #tpu.memory_space<semaphore_mem>>)
    %add3A_18 = arith.constant 16384 : i32
    %add3A_19 = arith.addi %mul3A_2, %add3A_18 : i32
    %dma_start3A_20 = arith.constant 16384 : i32
    %dma_start3A_21 = tpu.memref_slice %arg5[%dma_start3A_20] : memref<32768xf32, #tpu.memory_space<vmem>> -> memref<8192xf32, #tpu.memory_space<vmem>>
    %dma_start3A_22 = tpu.memref_slice %arg2[%add3A_19] : memref<524288xf32, #tpu.memory_space<hbm>> -> memref<8192xf32, #tpu.memory_space<hbm>>
    %dma_start3A_23 = arith.constant 16384 : i32
    %dma_start3A_24 = tpu.memref_slice %arg5[%dma_start3A_23] : memref<32768xf32, #tpu.memory_space<vmem>> -> memref<8192xf32, #tpu.memory_space<vmem>>
    %dma_start3A_25 = tpu.memref_slice %arg2[%add3A_19] : memref<524288xf32, #tpu.memory_space<hbm>> -> memref<8192xf32, #tpu.memory_space<hbm>>
    tpu.enqueue_dma source(%dma_start3A_25 : memref<8192xf32, #tpu.memory_space<hbm>>) target(%dma_start3A_24 : memref<8192xf32, #tpu.memory_space<vmem>>) target_semaphore(%arg9 : memref<!tpu.dma_semaphore, #tpu.memory_space<semaphore_mem>>)
    %add3A_26 = arith.constant 24576 : i32
    %add3A_27 = arith.addi %mul3A_2, %add3A_26 : i32
    %dma_start3A_28 = arith.constant 24576 : i32
    %dma_start3A_29 = tpu.memref_slice %arg5[%dma_start3A_28] : memref<32768xf32, #tpu.memory_space<vmem>> -> memref<8192xf32, #tpu.memory_space<vmem>>
    %dma_start3A_30 = tpu.memref_slice %arg2[%add3A_27] : memref<524288xf32, #tpu.memory_space<hbm>> -> memref<8192xf32, #tpu.memory_space<hbm>>
    %dma_start3A_31 = arith.constant 24576 : i32
    %dma_start3A_32 = tpu.memref_slice %arg5[%dma_start3A_31] : memref<32768xf32, #tpu.memory_space<vmem>> -> memref<8192xf32, #tpu.memory_space<vmem>>
    %dma_start3A_33 = tpu.memref_slice %arg2[%add3A_27] : memref<524288xf32, #tpu.memory_space<hbm>> -> memref<8192xf32, #tpu.memory_space<hbm>>
    tpu.enqueue_dma source(%dma_start3A_33 : memref<8192xf32, #tpu.memory_space<hbm>>) target(%dma_start3A_32 : memref<8192xf32, #tpu.memory_space<vmem>>) target_semaphore(%arg10 : memref<!tpu.dma_semaphore, #tpu.memory_space<semaphore_mem>>)
    tpu.wait_dma2 semaphore(%arg11 : memref<!tpu.dma_semaphore, #tpu.memory_space<semaphore_mem>>) src(%arg3 : memref<64xf32, #tpu.memory_space<hbm>>) dst(%arg6 : memref<64xf32, #tpu.memory_space<vmem>>)
    %get3A = arith.constant 0 : index
    %get3A_34 = tpu.vector_load %arg6[%get3A] {strides = array<i32>} : memref<64xf32, #tpu.memory_space<vmem>>, vector<16xf32>,
    %get3A_35 = vector.shape_cast %get3A_34 : vector<16xf32> to vector<16xf32>
    %slice3A = vector.extract_strided_slice %get3A_35 {offsets = [0], sizes = [1], strides = [1]} : vector<16xf32> to vector<1xf32>
    %squeeze3A = vector.extract %slice3A[0] : f32 from vector<1xf32>
    %broadcast_in_dim3A = vector.broadcast %squeeze3A : f32 to vector<16xf32>
    %get3A_36 = arith.constant 48 : index
    %get3A_37 = tpu.vector_load %arg6[%get3A_36] {strides = array<i32>} : memref<64xf32, #tpu.memory_space<vmem>>, vector<16xf32>,
    %get3A_38 = vector.shape_cast %get3A_37 : vector<16xf32> to vector<16xf32>
    %slice3A_39 = vector.extract_strided_slice %get3A_38 {offsets = [15], sizes = [1], strides = [1]} : vector<16xf32> to vector<1xf32>
    %squeeze3A_40 = vector.extract %slice3A_39[0] : f32 from vector<1xf32>
    %broadcast_in_dim3A_41 = vector.broadcast %squeeze3A_40 : f32 to vector<16xf32>
    %dma_wait3A = arith.constant 0 : i32
    %dma_wait3A_42 = tpu.memref_slice %arg5[%dma_wait3A] : memref<32768xf32, #tpu.memory_space<vmem>> -> memref<8192xf32, #tpu.memory_space<vmem>>
    %dma_wait3A_43 = tpu.memref_slice %arg2[%add3A_4] : memref<524288xf32, #tpu.memory_space<hbm>> -> memref<8192xf32, #tpu.memory_space<hbm>>
    %dma_wait3A_44 = arith.constant 0 : i32
    %dma_wait3A_45 = tpu.memref_slice %arg5[%dma_wait3A_44] : memref<32768xf32, #tpu.memory_space<vmem>> -> memref<8192xf32, #tpu.memory_space<vmem>>
    %dma_wait3A_46 = tpu.memref_slice %arg2[%add3A_4] : memref<524288xf32, #tpu.memory_space<hbm>> -> memref<8192xf32, #tpu.memory_space<hbm>>
    tpu.wait_dma2 semaphore(%arg7 : memref<!tpu.dma_semaphore, #tpu.memory_space<semaphore_mem>>) src(%dma_wait3A_46 : memref<8192xf32, #tpu.memory_space<hbm>>) dst(%dma_wait3A_45 : memref<8192xf32, #tpu.memory_space<vmem>>)
    %scan3A = arith.constant 0 : i32
    %scan3A_47 = arith.constant 0 : i32
    %scan3A_48 = arith.constant 32 : i32
    %scan3A_49 = arith.addi %scan3A_47, %scan3A_48 : i32
    %scan3A_50 = arith.constant 1 : i32
    scf.for %scan3A_144 = %scan3A_47 to %scan3A_49 step %scan3A_50  : i32 {
      %mul3A_145 = arith.constant 256 : i32
      %mul3A_146 = arith.muli %scan3A_144, %mul3A_145 : i32
      %add3A_147 = arith.constant 0 : i32
      %add3A_148 = arith.addi %add3A_147, %mul3A_146 : i32
      %add3A_149 = arith.constant 0 : i32
      %add3A_150 = arith.addi %add3A_148, %add3A_149 : i32
      %get3A_151 = arith.index_cast %add3A_150 : i32 to index
      %get3A_152 = tpu.vector_load %arg5[%get3A_151] {strides = array<i32>} : memref<32768xf32, #tpu.memory_space<vmem>>, vector<16xf32>,
      %get3A_153 = vector.shape_cast %get3A_152 : vector<16xf32> to vector<16xf32>
      %min3A = arith.minimumf %get3A_153, %broadcast_in_dim3A_41 : vector<16xf32>
      %max3A = arith.maximumf %min3A, %broadcast_in_dim3A : vector<16xf32>
      %swap3A = arith.index_cast %add3A_150 : i32 to index
      %swap3A_154 = tpu.vector_load %arg5[%swap3A] {strides = array<i32>} : memref<32768xf32, #tpu.memory_space<vmem>>, vector<16xf32>,
      %swap3A_155 = vector.shape_cast %swap3A_154 : vector<16xf32> to vector<16xf32>
      %swap3A_156 = vector.shape_cast %max3A : vector<16xf32> to vector<16xf32>
      tpu.vector_store %arg5[%swap3A], %swap3A_156 {strides = array<i32>} : memref<32768xf32, #tpu.memory_space<vmem>>, vector<16xf32>,
      %add3A_157 = arith.constant 16 : i32
      %add3A_158 = arith.addi %add3A_148, %add3A_157 : i32
      %get3A_159 = arith.index_cast %add3A_158 : i32 to index
      %get3A_160 = tpu.vector_load %arg5[%get3A_159] {strides = array<i32>} : memref<32768xf32, #tpu.memory_space<vmem>>, vector<16xf32>,
      %get3A_161 = vector.shape_cast %get3A_160 : vector<16xf32> to vector<16xf32>
      %min3A_162 = arith.minimumf %get3A_161, %broadcast_in_dim3A_41 : vector<16xf32>
      %max3A_163 = arith.maximumf %min3A_162, %broadcast_in_dim3A : vector<16xf32>
      %swap3A_164 = arith.index_cast %add3A_158 : i32 to index
      %swap3A_165 = tpu.vector_load %arg5[%swap3A_164] {strides = array<i32>} : memref<32768xf32, #tpu.memory_space<vmem>>, vector<16xf32>,
      %swap3A_166 = vector.shape_cast %swap3A_165 : vector<16xf32> to vector<16xf32>
      %swap3A_167 = vector.shape_cast %max3A_163 : vector<16xf32> to vector<16xf32>
      tpu.vector_store %arg5[%swap3A_164], %swap3A_167 {strides = array<i32>} : memref<32768xf32, #tpu.memory_space<vmem>>, vector<16xf32>,
      %add3A_168 = arith.constant 32 : i32
      %add3A_169 = arith.addi %add3A_148, %add3A_168 : i32
      %get3A_170 = arith.index_cast %add3A_169 : i32 to index
      %get3A_171 = tpu.vector_load %arg5[%get3A_170] {strides = array<i32>} : memref<32768xf32, #tpu.memory_space<vmem>>, vector<16xf32>,
      %get3A_172 = vector.shape_cast %get3A_171 : vector<16xf32> to vector<16xf32>
      %min3A_173 = arith.minimumf %get3A_172, %broadcast_in_dim3A_41 : vector<16xf32>
      %max3A_174 = arith.maximumf %min3A_173, %broadcast_in_dim3A : vector<16xf32>
      %swap3A_175 = arith.index_cast %add3A_169 : i32 to index
      %swap3A_176 = tpu.vector_load %arg5[%swap3A_175] {strides = array<i32>} : memref<32768xf32, #tpu.memory_space<vmem>>, vector<16xf32>,
      %swap3A_177 = vector.shape_cast %swap3A_176 : vector<16xf32> to vector<16xf32>
      %swap3A_178 = vector.shape_cast %max3A_174 : vector<16xf32> to vector<16xf32>
      tpu.vector_store %arg5[%swap3A_175], %swap3A_178 {strides = array<i32>} : memref<32768xf32, #tpu.memory_space<vmem>>, vector<16xf32>,
      %add3A_179 = arith.constant 48 : i32
      %add3A_180 = arith.addi %add3A_148, %add3A_179 : i32
      %get3A_181 = arith.index_cast %add3A_180 : i32 to index
      %get3A_182 = tpu.vector_load %arg5[%get3A_181] {strides = array<i32>} : memref<32768xf32, #tpu.memory_space<vmem>>, vector<16xf32>,
      %get3A_183 = vector.shape_cast %get3A_182 : vector<16xf32> to vector<16xf32>
      %min3A_184 = arith.minimumf %get3A_183, %broadcast_in_dim3A_41 : vector<16xf32>
      %max3A_185 = arith.maximumf %min3A_184, %broadcast_in_dim3A : vector<16xf32>
      %swap3A_186 = arith.index_cast %add3A_180 : i32 to index
      %swap3A_187 = tpu.vector_load %arg5[%swap3A_186] {strides = array<i32>} : memref<32768xf32, #tpu.memory_space<vmem>>, vector<16xf32>,
      %swap3A_188 = vector.shape_cast %swap3A_187 : vector<16xf32> to vector<16xf32>
      %swap3A_189 = vector.shape_cast %max3A_185 : vector<16xf32> to vector<16xf32>
      tpu.vector_store %arg5[%swap3A_186], %swap3A_189 {strides = array<i32>} : memref<32768xf32, #tpu.memory_space<vmem>>, vector<16xf32>,
      %add3A_190 = arith.constant 64 : i32
      %add3A_191 = arith.addi %add3A_148, %add3A_190 : i32
      %get3A_192 = arith.index_cast %add3A_191 : i32 to index
      %get3A_193 = tpu.vector_load %arg5[%get3A_192] {strides = array<i32>} : memref<32768xf32, #tpu.memory_space<vmem>>, vector<16xf32>,
      %get3A_194 = vector.shape_cast %get3A_193 : vector<16xf32> to vector<16xf32>
      %min3A_195 = arith.minimumf %get3A_194, %broadcast_in_dim3A_41 : vector<16xf32>
      %max3A_196 = arith.maximumf %min3A_195, %broadcast_in_dim3A : vector<16xf32>
      %swap3A_197 = arith.index_cast %add3A_191 : i32 to index
      %swap3A_198 = tpu.vector_load %arg5[%swap3A_197] {strides = array<i32>} : memref<32768xf32, #tpu.memory_space<vmem>>, vector<16xf32>,
      %swap3A_199 = vector.shape_cast %swap3A_198 : vector<16xf32> to vector<16xf32>
      %swap3A_200 = vector.shape_cast %max3A_196 : vector<16xf32> to vector<16xf32>
      tpu.vector_store %arg5[%swap3A_197], %swap3A_200 {strides = array<i32>} : memref<32768xf32, #tpu.memory_space<vmem>>, vector<16xf32>,
      %add3A_201 = arith.constant 80 : i32
      %add3A_202 = arith.addi %add3A_148, %add3A_201 : i32
      %get3A_203 = arith.index_cast %add3A_202 : i32 to index
      %get3A_204 = tpu.vector_load %arg5[%get3A_203] {strides = array<i32>} : memref<32768xf32, #tpu.memory_space<vmem>>, vector<16xf32>,
      %get3A_205 = vector.shape_cast %get3A_204 : vector<16xf32> to vector<16xf32>
      %min3A_206 = arith.minimumf %get3A_205, %broadcast_in_dim3A_41 : vector<16xf32>
      %max3A_207 = arith.maximumf %min3A_206, %broadcast_in_dim3A : vector<16xf32>
      %swap3A_208 = arith.index_cast %add3A_202 : i32 to index
      %swap3A_209 = tpu.vector_load %arg5[%swap3A_208] {strides = array<i32>} : memref<32768xf32, #tpu.memory_space<vmem>>, vector<16xf32>,
      %swap3A_210 = vector.shape_cast %swap3A_209 : vector<16xf32> to vector<16xf32>
      %swap3A_211 = vector.shape_cast %max3A_207 : vector<16xf32> to vector<16xf32>
      tpu.vector_store %arg5[%swap3A_208], %swap3A_211 {strides = array<i32>} : memref<32768xf32, #tpu.memory_space<vmem>>, vector<16xf32>,
      %add3A_212 = arith.constant 96 : i32
      %add3A_213 = arith.addi %add3A_148, %add3A_212 : i32
      %get3A_214 = arith.index_cast %add3A_213 : i32 to index
      %get3A_215 = tpu.vector_load %arg5[%get3A_214] {strides = array<i32>} : memref<32768xf32, #tpu.memory_space<vmem>>, vector<16xf32>,
      %get3A_216 = vector.shape_cast %get3A_215 : vector<16xf32> to vector<16xf32>
      %min3A_217 = arith.minimumf %get3A_216, %broadcast_in_dim3A_41 : vector<16xf32>
      %max3A_218 = arith.maximumf %min3A_217, %broadcast_in_dim3A : vector<16xf32>
      %swap3A_219 = arith.index_cast %add3A_213 : i32 to index
      %swap3A_220 = tpu.vector_load %arg5[%swap3A_219] {strides = array<i32>} : memref<32768xf32, #tpu.memory_space<vmem>>, vector<16xf32>,
      %swap3A_221 = vector.shape_cast %swap3A_220 : vector<16xf32> to vector<16xf32>
      %swap3A_222 = vector.shape_cast %max3A_218 : vector<16xf32> to vector<16xf32>
      tpu.vector_store %arg5[%swap3A_219], %swap3A_222 {strides = array<i32>} : memref<32768xf32, #tpu.memory_space<vmem>>, vector<16xf32>,
      %add3A_223 = arith.constant 112 : i32
      %add3A_224 = arith.addi %add3A_148, %add3A_223 : i32
      %get3A_225 = arith.index_cast %add3A_224 : i32 to index
      %get3A_226 = tpu.vector_load %arg5[%get3A_225] {strides = array<i32>} : memref<32768xf32, #tpu.memory_space<vmem>>, vector<16xf32>,
      %get3A_227 = vector.shape_cast %get3A_226 : vector<16xf32> to vector<16xf32>
      %min3A_228 = arith.minimumf %get3A_227, %broadcast_in_dim3A_41 : vector<16xf32>
      %max3A_229 = arith.maximumf %min3A_228, %broadcast_in_dim3A : vector<16xf32>
      %swap3A_230 = arith.index_cast %add3A_224 : i32 to index
      %swap3A_231 = tpu.vector_load %arg5[%swap3A_230] {strides = array<i32>} : memref<32768xf32, #tpu.memory_space<vmem>>, vector<16xf32>,
      %swap3A_232 = vector.shape_cast %swap3A_231 : vector<16xf32> to vector<16xf32>
      %swap3A_233 = vector.shape_cast %max3A_229 : vector<16xf32> to vector<16xf32>
      tpu.vector_store %arg5[%swap3A_230], %swap3A_233 {strides = array<i32>} : memref<32768xf32, #tpu.memory_space<vmem>>, vector<16xf32>,
      %add3A_234 = arith.constant 128 : i32
      %add3A_235 = arith.addi %add3A_148, %add3A_234 : i32
      %get3A_236 = arith.index_cast %add3A_235 : i32 to index
      %get3A_237 = tpu.vector_load %arg5[%get3A_236] {strides = array<i32>} : memref<32768xf32, #tpu.memory_space<vmem>>, vector<16xf32>,
      %get3A_238 = vector.shape_cast %get3A_237 : vector<16xf32> to vector<16xf32>
      %min3A_239 = arith.minimumf %get3A_238, %broadcast_in_dim3A_41 : vector<16xf32>
      %max3A_240 = arith.maximumf %min3A_239, %broadcast_in_dim3A : vector<16xf32>
      %swap3A_241 = arith.index_cast %add3A_235 : i32 to index
      %swap3A_242 = tpu.vector_load %arg5[%swap3A_241] {strides = array<i32>} : memref<32768xf32, #tpu.memory_space<vmem>>, vector<16xf32>,
      %swap3A_243 = vector.shape_cast %swap3A_242 : vector<16xf32> to vector<16xf32>
      %swap3A_244 = vector.shape_cast %max3A_240 : vector<16xf32> to vector<16xf32>
      tpu.vector_store %arg5[%swap3A_241], %swap3A_244 {strides = array<i32>} : memref<32768xf32, #tpu.memory_space<vmem>>, vector<16xf32>,
      %add3A_245 = arith.constant 144 : i32
      %add3A_246 = arith.addi %add3A_148, %add3A_245 : i32
      %get3A_247 = arith.index_cast %add3A_246 : i32 to index
      %get3A_248 = tpu.vector_load %arg5[%get3A_247] {strides = array<i32>} : memref<32768xf32, #tpu.memory_space<vmem>>, vector<16xf32>,
      %get3A_249 = vector.shape_cast %get3A_248 : vector<16xf32> to vector<16xf32>
      %min3A_250 = arith.minimumf %get3A_249, %broadcast_in_dim3A_41 : vector<16xf32>
      %max3A_251 = arith.maximumf %min3A_250, %broadcast_in_dim3A : vector<16xf32>
      %swap3A_252 = arith.index_cast %add3A_246 : i32 to index
      %swap3A_253 = tpu.vector_load %arg5[%swap3A_252] {strides = array<i32>} : memref<32768xf32, #tpu.memory_space<vmem>>, vector<16xf32>,
      %swap3A_254 = vector.shape_cast %swap3A_253 : vector<16xf32> to vector<16xf32>
      %swap3A_255 = vector.shape_cast %max3A_251 : vector<16xf32> to vector<16xf32>
      tpu.vector_store %arg5[%swap3A_252], %swap3A_255 {strides = array<i32>} : memref<32768xf32, #tpu.memory_space<vmem>>, vector<16xf32>,
      %add3A_256 = arith.constant 160 : i32
      %add3A_257 = arith.addi %add3A_148, %add3A_256 : i32
      %get3A_258 = arith.index_cast %add3A_257 : i32 to index
      %get3A_259 = tpu.vector_load %arg5[%get3A_258] {strides = array<i32>} : memref<32768xf32, #tpu.memory_space<vmem>>, vector<16xf32>,
      %get3A_260 = vector.shape_cast %get3A_259 : vector<16xf32> to vector<16xf32>
      %min3A_261 = arith.minimumf %get3A_260, %broadcast_in_dim3A_41 : vector<16xf32>
      %max3A_262 = arith.maximumf %min3A_261, %broadcast_in_dim3A : vector<16xf32>
      %swap3A_263 = arith.index_cast %add3A_257 : i32 to index
      %swap3A_264 = tpu.vector_load %arg5[%swap3A_263] {strides = array<i32>} : memref<32768xf32, #tpu.memory_space<vmem>>, vector<16xf32>,
      %swap3A_265 = vector.shape_cast %swap3A_264 : vector<16xf32> to vector<16xf32>
      %swap3A_266 = vector.shape_cast %max3A_262 : vector<16xf32> to vector<16xf32>
      tpu.vector_store %arg5[%swap3A_263], %swap3A_266 {strides = array<i32>} : memref<32768xf32, #tpu.memory_space<vmem>>, vector<16xf32>,
      %add3A_267 = arith.constant 176 : i32
      %add3A_268 = arith.addi %add3A_148, %add3A_267 : i32
      %get3A_269 = arith.index_cast %add3A_268 : i32 to index
      %get3A_270 = tpu.vector_load %arg5[%get3A_269] {strides = array<i32>} : memref<32768xf32, #tpu.memory_space<vmem>>, vector<16xf32>,
      %get3A_271 = vector.shape_cast %get3A_270 : vector<16xf32> to vector<16xf32>
      %min3A_272 = arith.minimumf %get3A_271, %broadcast_in_dim3A_41 : vector<16xf32>
      %max3A_273 = arith.maximumf %min3A_272, %broadcast_in_dim3A : vector<16xf32>
      %swap3A_274 = arith.index_cast %add3A_268 : i32 to index
      %swap3A_275 = tpu.vector_load %arg5[%swap3A_274] {strides = array<i32>} : memref<32768xf32, #tpu.memory_space<vmem>>, vector<16xf32>,
      %swap3A_276 = vector.shape_cast %swap3A_275 : vector<16xf32> to vector<16xf32>
      %swap3A_277 = vector.shape_cast %max3A_273 : vector<16xf32> to vector<16xf32>
      tpu.vector_store %arg5[%swap3A_274], %swap3A_277 {strides = array<i32>} : memref<32768xf32, #tpu.memory_space<vmem>>, vector<16xf32>,
      %add3A_278 = arith.constant 192 : i32
      %add3A_279 = arith.addi %add3A_148, %add3A_278 : i32
      %get3A_280 = arith.index_cast %add3A_279 : i32 to index
      %get3A_281 = tpu.vector_load %arg5[%get3A_280] {strides = array<i32>} : memref<32768xf32, #tpu.memory_space<vmem>>, vector<16xf32>,
      %get3A_282 = vector.shape_cast %get3A_281 : vector<16xf32> to vector<16xf32>
      %min3A_283 = arith.minimumf %get3A_282, %broadcast_in_dim3A_41 : vector<16xf32>
      %max3A_284 = arith.maximumf %min3A_283, %broadcast_in_dim3A : vector<16xf32>
      %swap3A_285 = arith.index_cast %add3A_279 : i32 to index
      %swap3A_286 = tpu.vector_load %arg5[%swap3A_285] {strides = array<i32>} : memref<32768xf32, #tpu.memory_space<vmem>>, vector<16xf32>,
      %swap3A_287 = vector.shape_cast %swap3A_286 : vector<16xf32> to vector<16xf32>
      %swap3A_288 = vector.shape_cast %max3A_284 : vector<16xf32> to vector<16xf32>
      tpu.vector_store %arg5[%swap3A_285], %swap3A_288 {strides = array<i32>} : memref<32768xf32, #tpu.memory_space<vmem>>, vector<16xf32>,
      %add3A_289 = arith.constant 208 : i32
      %add3A_290 = arith.addi %add3A_148, %add3A_289 : i32
      %get3A_291 = arith.index_cast %add3A_290 : i32 to index
      %get3A_292 = tpu.vector_load %arg5[%get3A_291] {strides = array<i32>} : memref<32768xf32, #tpu.memory_space<vmem>>, vector<16xf32>,
      %get3A_293 = vector.shape_cast %get3A_292 : vector<16xf32> to vector<16xf32>
      %min3A_294 = arith.minimumf %get3A_293, %broadcast_in_dim3A_41 : vector<16xf32>
      %max3A_295 = arith.maximumf %min3A_294, %broadcast_in_dim3A : vector<16xf32>
      %swap3A_296 = arith.index_cast %add3A_290 : i32 to index
      %swap3A_297 = tpu.vector_load %arg5[%swap3A_296] {strides = array<i32>} : memref<32768xf32, #tpu.memory_space<vmem>>, vector<16xf32>,
      %swap3A_298 = vector.shape_cast %swap3A_297 : vector<16xf32> to vector<16xf32>
      %swap3A_299 = vector.shape_cast %max3A_295 : vector<16xf32> to vector<16xf32>
      tpu.vector_store %arg5[%swap3A_296], %swap3A_299 {strides = array<i32>} : memref<32768xf32, #tpu.memory_space<vmem>>, vector<16xf32>,
      %add3A_300 = arith.constant 224 : i32
      %add3A_301 = arith.addi %add3A_148, %add3A_300 : i32
      %get3A_302 = arith.index_cast %add3A_301 : i32 to index
      %get3A_303 = tpu.vector_load %arg5[%get3A_302] {strides = array<i32>} : memref<32768xf32, #tpu.memory_space<vmem>>, vector<16xf32>,
      %get3A_304 = vector.shape_cast %get3A_303 : vector<16xf32> to vector<16xf32>
      %min3A_305 = arith.minimumf %get3A_304, %broadcast_in_dim3A_41 : vector<16xf32>
      %max3A_306 = arith.maximumf %min3A_305, %broadcast_in_dim3A : vector<16xf32>
      %swap3A_307 = arith.index_cast %add3A_301 : i32 to index
      %swap3A_308 = tpu.vector_load %arg5[%swap3A_307] {strides = array<i32>} : memref<32768xf32, #tpu.memory_space<vmem>>, vector<16xf32>,
      %swap3A_309 = vector.shape_cast %swap3A_308 : vector<16xf32> to vector<16xf32>
      %swap3A_310 = vector.shape_cast %max3A_306 : vector<16xf32> to vector<16xf32>
      tpu.vector_store %arg5[%swap3A_307], %swap3A_310 {strides = array<i32>} : memref<32768xf32, #tpu.memory_space<vmem>>, vector<16xf32>,
      %add3A_311 = arith.constant 240 : i32
      %add3A_312 = arith.addi %add3A_148, %add3A_311 : i32
      %get3A_313 = arith.index_cast %add3A_312 : i32 to index
      %get3A_314 = tpu.vector_load %arg5[%get3A_313] {strides = array<i32>} : memref<32768xf32, #tpu.memory_space<vmem>>, vector<16xf32>,
      %get3A_315 = vector.shape_cast %get3A_314 : vector<16xf32> to vector<16xf32>
      %min3A_316 = arith.minimumf %get3A_315, %broadcast_in_dim3A_41 : vector<16xf32>
      %max3A_317 = arith.maximumf %min3A_316, %broadcast_in_dim3A : vector<16xf32>
      %swap3A_318 = arith.index_cast %add3A_312 : i32 to index
      %swap3A_319 = tpu.vector_load %arg5[%swap3A_318] {strides = array<i32>} : memref<32768xf32, #tpu.memory_space<vmem>>, vector<16xf32>,
      %swap3A_320 = vector.shape_cast %swap3A_319 : vector<16xf32> to vector<16xf32>
      %swap3A_321 = vector.shape_cast %max3A_317 : vector<16xf32> to vector<16xf32>
      tpu.vector_store %arg5[%swap3A_318], %swap3A_321 {strides = array<i32>} : memref<32768xf32, #tpu.memory_space<vmem>>, vector<16xf32>,
    }
    %scan3A_51 = arith.constant 32 : i32
    %add3A_52 = arith.constant 0 : i32
    %add3A_53 = arith.addi %mul3A_2, %add3A_52 : i32
    %dma_start3A_54 = arith.constant 0 : i32
    %dma_start3A_55 = tpu.memref_slice %arg5[%dma_start3A_54] : memref<32768xf32, #tpu.memory_space<vmem>> -> memref<8192xf32, #tpu.memory_space<vmem>>
    %dma_start3A_56 = tpu.memref_slice %arg4[%add3A_53] : memref<524288xf32, #tpu.memory_space<hbm>> -> memref<8192xf32, #tpu.memory_space<hbm>>
    %dma_start3A_57 = tpu.memref_slice %arg4[%add3A_53] : memref<524288xf32, #tpu.memory_space<hbm>> -> memref<8192xf32, #tpu.memory_space<hbm>>
    %dma_start3A_58 = arith.constant 0 : i32
    %dma_start3A_59 = tpu.memref_slice %arg5[%dma_start3A_58] : memref<32768xf32, #tpu.memory_space<vmem>> -> memref<8192xf32, #tpu.memory_space<vmem>>
    tpu.enqueue_dma source(%dma_start3A_59 : memref<8192xf32, #tpu.memory_space<vmem>>) target(%dma_start3A_57 : memref<8192xf32, #tpu.memory_space<hbm>>) target_semaphore(%arg12 : memref<!tpu.dma_semaphore, #tpu.memory_space<semaphore_mem>>)
    %dma_wait3A_60 = arith.constant 8192 : i32
    %dma_wait3A_61 = tpu.memref_slice %arg5[%dma_wait3A_60] : memref<32768xf32, #tpu.memory_space<vmem>> -> memref<8192xf32, #tpu.memory_space<vmem>>
    %dma_wait3A_62 = tpu.memref_slice %arg2[%add3A_11] : memref<524288xf32, #tpu.memory_space<hbm>> -> memref<8192xf32, #tpu.memory_space<hbm>>
    %dma_wait3A_63 = arith.constant 8192 : i32
    %dma_wait3A_64 = tpu.memref_slice %arg5[%dma_wait3A_63] : memref<32768xf32, #tpu.memory_space<vmem>> -> memref<8192xf32, #tpu.memory_space<vmem>>
    %dma_wait3A_65 = tpu.memref_slice %arg2[%add3A_11] : memref<524288xf32, #tpu.memory_space<hbm>> -> memref<8192xf32, #tpu.memory_space<hbm>>
    tpu.wait_dma2 semaphore(%arg8 : memref<!tpu.dma_semaphore, #tpu.memory_space<semaphore_mem>>) src(%dma_wait3A_65 : memref<8192xf32, #tpu.memory_space<hbm>>) dst(%dma_wait3A_64 : memref<8192xf32, #tpu.memory_space<vmem>>)
    %scan3A_66 = arith.constant 0 : i32
    %scan3A_67 = arith.constant 0 : i32
    %scan3A_68 = arith.constant 32 : i32
    %scan3A_69 = arith.addi %scan3A_67, %scan3A_68 : i32
    %scan3A_70 = arith.constant 1 : i32
    scf.for %scan3A_144 = %scan3A_67 to %scan3A_69 step %scan3A_70  : i32 {
      %mul3A_145 = arith.constant 256 : i32
      %mul3A_146 = arith.muli %scan3A_144, %mul3A_145 : i32
      %add3A_147 = arith.constant 8192 : i32
      %add3A_148 = arith.addi %add3A_147, %mul3A_146 : i32
      %add3A_149 = arith.constant 0 : i32
      %add3A_150 = arith.addi %add3A_148, %add3A_149 : i32
      %get3A_151 = arith.index_cast %add3A_150 : i32 to index
      %get3A_152 = tpu.vector_load %arg5[%get3A_151] {strides = array<i32>} : memref<32768xf32, #tpu.memory_space<vmem>>, vector<16xf32>,
      %get3A_153 = vector.shape_cast %get3A_152 : vector<16xf32> to vector<16xf32>
      %min3A = arith.minimumf %get3A_153, %broadcast_in_dim3A_41 : vector<16xf32>
      %max3A = arith.maximumf %min3A, %broadcast_in_dim3A : vector<16xf32>
      %swap3A = arith.index_cast %add3A_150 : i32 to index
      %swap3A_154 = tpu.vector_load %arg5[%swap3A] {strides = array<i32>} : memref<32768xf32, #tpu.memory_space<vmem>>, vector<16xf32>,
      %swap3A_155 = vector.shape_cast %swap3A_154 : vector<16xf32> to vector<16xf32>
      %swap3A_156 = vector.shape_cast %max3A : vector<16xf32> to vector<16xf32>
      tpu.vector_store %arg5[%swap3A], %swap3A_156 {strides = array<i32>} : memref<32768xf32, #tpu.memory_space<vmem>>, vector<16xf32>,
      %add3A_157 = arith.constant 16 : i32
      %add3A_158 = arith.addi %add3A_148, %add3A_157 : i32
      %get3A_159 = arith.index_cast %add3A_158 : i32 to index
      %get3A_160 = tpu.vector_load %arg5[%get3A_159] {strides = array<i32>} : memref<32768xf32, #tpu.memory_space<vmem>>, vector<16xf32>,
      %get3A_161 = vector.shape_cast %get3A_160 : vector<16xf32> to vector<16xf32>
      %min3A_162 = arith.minimumf %get3A_161, %broadcast_in_dim3A_41 : vector<16xf32>
      %max3A_163 = arith.maximumf %min3A_162, %broadcast_in_dim3A : vector<16xf32>
      %swap3A_164 = arith.index_cast %add3A_158 : i32 to index
      %swap3A_165 = tpu.vector_load %arg5[%swap3A_164] {strides = array<i32>} : memref<32768xf32, #tpu.memory_space<vmem>>, vector<16xf32>,
      %swap3A_166 = vector.shape_cast %swap3A_165 : vector<16xf32> to vector<16xf32>
      %swap3A_167 = vector.shape_cast %max3A_163 : vector<16xf32> to vector<16xf32>
      tpu.vector_store %arg5[%swap3A_164], %swap3A_167 {strides = array<i32>} : memref<32768xf32, #tpu.memory_space<vmem>>, vector<16xf32>,
      %add3A_168 = arith.constant 32 : i32
      %add3A_169 = arith.addi %add3A_148, %add3A_168 : i32
      %get3A_170 = arith.index_cast %add3A_169 : i32 to index
      %get3A_171 = tpu.vector_load %arg5[%get3A_170] {strides = array<i32>} : memref<32768xf32, #tpu.memory_space<vmem>>, vector<16xf32>,
      %get3A_172 = vector.shape_cast %get3A_171 : vector<16xf32> to vector<16xf32>
      %min3A_173 = arith.minimumf %get3A_172, %broadcast_in_dim3A_41 : vector<16xf32>
      %max3A_174 = arith.maximumf %min3A_173, %broadcast_in_dim3A : vector<16xf32>
      %swap3A_175 = arith.index_cast %add3A_169 : i32 to index
      %swap3A_176 = tpu.vector_load %arg5[%swap3A_175] {strides = array<i32>} : memref<32768xf32, #tpu.memory_space<vmem>>, vector<16xf32>,
      %swap3A_177 = vector.shape_cast %swap3A_176 : vector<16xf32> to vector<16xf32>
      %swap3A_178 = vector.shape_cast %max3A_174 : vector<16xf32> to vector<16xf32>
      tpu.vector_store %arg5[%swap3A_175], %swap3A_178 {strides = array<i32>} : memref<32768xf32, #tpu.memory_space<vmem>>, vector<16xf32>,
      %add3A_179 = arith.constant 48 : i32
      %add3A_180 = arith.addi %add3A_148, %add3A_179 : i32
      %get3A_181 = arith.index_cast %add3A_180 : i32 to index
      %get3A_182 = tpu.vector_load %arg5[%get3A_181] {strides = array<i32>} : memref<32768xf32, #tpu.memory_space<vmem>>, vector<16xf32>,
      %get3A_183 = vector.shape_cast %get3A_182 : vector<16xf32> to vector<16xf32>
      %min3A_184 = arith.minimumf %get3A_183, %broadcast_in_dim3A_41 : vector<16xf32>
      %max3A_185 = arith.maximumf %min3A_184, %broadcast_in_dim3A : vector<16xf32>
      %swap3A_186 = arith.index_cast %add3A_180 : i32 to index
      %swap3A_187 = tpu.vector_load %arg5[%swap3A_186] {strides = array<i32>} : memref<32768xf32, #tpu.memory_space<vmem>>, vector<16xf32>,
      %swap3A_188 = vector.shape_cast %swap3A_187 : vector<16xf32> to vector<16xf32>
      %swap3A_189 = vector.shape_cast %max3A_185 : vector<16xf32> to vector<16xf32>
      tpu.vector_store %arg5[%swap3A_186], %swap3A_189 {strides = array<i32>} : memref<32768xf32, #tpu.memory_space<vmem>>, vector<16xf32>,
      %add3A_190 = arith.constant 64 : i32
      %add3A_191 = arith.addi %add3A_148, %add3A_190 : i32
      %get3A_192 = arith.index_cast %add3A_191 : i32 to index
      %get3A_193 = tpu.vector_load %arg5[%get3A_192] {strides = array<i32>} : memref<32768xf32, #tpu.memory_space<vmem>>, vector<16xf32>,
      %get3A_194 = vector.shape_cast %get3A_193 : vector<16xf32> to vector<16xf32>
      %min3A_195 = arith.minimumf %get3A_194, %broadcast_in_dim3A_41 : vector<16xf32>
      %max3A_196 = arith.maximumf %min3A_195, %broadcast_in_dim3A : vector<16xf32>
      %swap3A_197 = arith.index_cast %add3A_191 : i32 to index
      %swap3A_198 = tpu.vector_load %arg5[%swap3A_197] {strides = array<i32>} : memref<32768xf32, #tpu.memory_space<vmem>>, vector<16xf32>,
      %swap3A_199 = vector.shape_cast %swap3A_198 : vector<16xf32> to vector<16xf32>
      %swap3A_200 = vector.shape_cast %max3A_196 : vector<16xf32> to vector<16xf32>
      tpu.vector_store %arg5[%swap3A_197], %swap3A_200 {strides = array<i32>} : memref<32768xf32, #tpu.memory_space<vmem>>, vector<16xf32>,
      %add3A_201 = arith.constant 80 : i32
      %add3A_202 = arith.addi %add3A_148, %add3A_201 : i32
      %get3A_203 = arith.index_cast %add3A_202 : i32 to index
      %get3A_204 = tpu.vector_load %arg5[%get3A_203] {strides = array<i32>} : memref<32768xf32, #tpu.memory_space<vmem>>, vector<16xf32>,
      %get3A_205 = vector.shape_cast %get3A_204 : vector<16xf32> to vector<16xf32>
      %min3A_206 = arith.minimumf %get3A_205, %broadcast_in_dim3A_41 : vector<16xf32>
      %max3A_207 = arith.maximumf %min3A_206, %broadcast_in_dim3A : vector<16xf32>
      %swap3A_208 = arith.index_cast %add3A_202 : i32 to index
      %swap3A_209 = tpu.vector_load %arg5[%swap3A_208] {strides = array<i32>} : memref<32768xf32, #tpu.memory_space<vmem>>, vector<16xf32>,
      %swap3A_210 = vector.shape_cast %swap3A_209 : vector<16xf32> to vector<16xf32>
      %swap3A_211 = vector.shape_cast %max3A_207 : vector<16xf32> to vector<16xf32>
      tpu.vector_store %arg5[%swap3A_208], %swap3A_211 {strides = array<i32>} : memref<32768xf32, #tpu.memory_space<vmem>>, vector<16xf32>,
      %add3A_212 = arith.constant 96 : i32
      %add3A_213 = arith.addi %add3A_148, %add3A_212 : i32
      %get3A_214 = arith.index_cast %add3A_213 : i32 to index
      %get3A_215 = tpu.vector_load %arg5[%get3A_214] {strides = array<i32>} : memref<32768xf32, #tpu.memory_space<vmem>>, vector<16xf32>,
      %get3A_216 = vector.shape_cast %get3A_215 : vector<16xf32> to vector<16xf32>
      %min3A_217 = arith.minimumf %get3A_216, %broadcast_in_dim3A_41 : vector<16xf32>
      %max3A_218 = arith.maximumf %min3A_217, %broadcast_in_dim3A : vector<16xf32>
      %swap3A_219 = arith.index_cast %add3A_213 : i32 to index
      %swap3A_220 = tpu.vector_load %arg5[%swap3A_219] {strides = array<i32>} : memref<32768xf32, #tpu.memory_space<vmem>>, vector<16xf32>,
      %swap3A_221 = vector.shape_cast %swap3A_220 : vector<16xf32> to vector<16xf32>
      %swap3A_222 = vector.shape_cast %max3A_218 : vector<16xf32> to vector<16xf32>
      tpu.vector_store %arg5[%swap3A_219], %swap3A_222 {strides = array<i32>} : memref<32768xf32, #tpu.memory_space<vmem>>, vector<16xf32>,
      %add3A_223 = arith.constant 112 : i32
      %add3A_224 = arith.addi %add3A_148, %add3A_223 : i32
      %get3A_225 = arith.index_cast %add3A_224 : i32 to index
      %get3A_226 = tpu.vector_load %arg5[%get3A_225] {strides = array<i32>} : memref<32768xf32, #tpu.memory_space<vmem>>, vector<16xf32>,
      %get3A_227 = vector.shape_cast %get3A_226 : vector<16xf32> to vector<16xf32>
      %min3A_228 = arith.minimumf %get3A_227, %broadcast_in_dim3A_41 : vector<16xf32>
      %max3A_229 = arith.maximumf %min3A_228, %broadcast_in_dim3A : vector<16xf32>
      %swap3A_230 = arith.index_cast %add3A_224 : i32 to index
      %swap3A_231 = tpu.vector_load %arg5[%swap3A_230] {strides = array<i32>} : memref<32768xf32, #tpu.memory_space<vmem>>, vector<16xf32>,
      %swap3A_232 = vector.shape_cast %swap3A_231 : vector<16xf32> to vector<16xf32>
      %swap3A_233 = vector.shape_cast %max3A_229 : vector<16xf32> to vector<16xf32>
      tpu.vector_store %arg5[%swap3A_230], %swap3A_233 {strides = array<i32>} : memref<32768xf32, #tpu.memory_space<vmem>>, vector<16xf32>,
      %add3A_234 = arith.constant 128 : i32
      %add3A_235 = arith.addi %add3A_148, %add3A_234 : i32
      %get3A_236 = arith.index_cast %add3A_235 : i32 to index
      %get3A_237 = tpu.vector_load %arg5[%get3A_236] {strides = array<i32>} : memref<32768xf32, #tpu.memory_space<vmem>>, vector<16xf32>,
      %get3A_238 = vector.shape_cast %get3A_237 : vector<16xf32> to vector<16xf32>
      %min3A_239 = arith.minimumf %get3A_238, %broadcast_in_dim3A_41 : vector<16xf32>
      %max3A_240 = arith.maximumf %min3A_239, %broadcast_in_dim3A : vector<16xf32>
      %swap3A_241 = arith.index_cast %add3A_235 : i32 to index
      %swap3A_242 = tpu.vector_load %arg5[%swap3A_241] {strides = array<i32>} : memref<32768xf32, #tpu.memory_space<vmem>>, vector<16xf32>,
      %swap3A_243 = vector.shape_cast %swap3A_242 : vector<16xf32> to vector<16xf32>
      %swap3A_244 = vector.shape_cast %max3A_240 : vector<16xf32> to vector<16xf32>
      tpu.vector_store %arg5[%swap3A_241], %swap3A_244 {strides = array<i32>} : memref<32768xf32, #tpu.memory_space<vmem>>, vector<16xf32>,
      %add3A_245 = arith.constant 144 : i32
      %add3A_246 = arith.addi %add3A_148, %add3A_245 : i32
      %get3A_247 = arith.index_cast %add3A_246 : i32 to index
      %get3A_248 = tpu.vector_load %arg5[%get3A_247] {strides = array<i32>} : memref<32768xf32, #tpu.memory_space<vmem>>, vector<16xf32>,
      %get3A_249 = vector.shape_cast %get3A_248 : vector<16xf32> to vector<16xf32>
      %min3A_250 = arith.minimumf %get3A_249, %broadcast_in_dim3A_41 : vector<16xf32>
      %max3A_251 = arith.maximumf %min3A_250, %broadcast_in_dim3A : vector<16xf32>
      %swap3A_252 = arith.index_cast %add3A_246 : i32 to index
      %swap3A_253 = tpu.vector_load %arg5[%swap3A_252] {strides = array<i32>} : memref<32768xf32, #tpu.memory_space<vmem>>, vector<16xf32>,
      %swap3A_254 = vector.shape_cast %swap3A_253 : vector<16xf32> to vector<16xf32>
      %swap3A_255 = vector.shape_cast %max3A_251 : vector<16xf32> to vector<16xf32>
      tpu.vector_store %arg5[%swap3A_252], %swap3A_255 {strides = array<i32>} : memref<32768xf32, #tpu.memory_space<vmem>>, vector<16xf32>,
      %add3A_256 = arith.constant 160 : i32
      %add3A_257 = arith.addi %add3A_148, %add3A_256 : i32
      %get3A_258 = arith.index_cast %add3A_257 : i32 to index
      %get3A_259 = tpu.vector_load %arg5[%get3A_258] {strides = array<i32>} : memref<32768xf32, #tpu.memory_space<vmem>>, vector<16xf32>,
      %get3A_260 = vector.shape_cast %get3A_259 : vector<16xf32> to vector<16xf32>
      %min3A_261 = arith.minimumf %get3A_260, %broadcast_in_dim3A_41 : vector<16xf32>
      %max3A_262 = arith.maximumf %min3A_261, %broadcast_in_dim3A : vector<16xf32>
      %swap3A_263 = arith.index_cast %add3A_257 : i32 to index
      %swap3A_264 = tpu.vector_load %arg5[%swap3A_263] {strides = array<i32>} : memref<32768xf32, #tpu.memory_space<vmem>>, vector<16xf32>,
      %swap3A_265 = vector.shape_cast %swap3A_264 : vector<16xf32> to vector<16xf32>
      %swap3A_266 = vector.shape_cast %max3A_262 : vector<16xf32> to vector<16xf32>
      tpu.vector_store %arg5[%swap3A_263], %swap3A_266 {strides = array<i32>} : memref<32768xf32, #tpu.memory_space<vmem>>, vector<16xf32>,
      %add3A_267 = arith.constant 176 : i32
      %add3A_268 = arith.addi %add3A_148, %add3A_267 : i32
      %get3A_269 = arith.index_cast %add3A_268 : i32 to index
      %get3A_270 = tpu.vector_load %arg5[%get3A_269] {strides = array<i32>} : memref<32768xf32, #tpu.memory_space<vmem>>, vector<16xf32>,
      %get3A_271 = vector.shape_cast %get3A_270 : vector<16xf32> to vector<16xf32>
      %min3A_272 = arith.minimumf %get3A_271, %broadcast_in_dim3A_41 : vector<16xf32>
      %max3A_273 = arith.maximumf %min3A_272, %broadcast_in_dim3A : vector<16xf32>
      %swap3A_274 = arith.index_cast %add3A_268 : i32 to index
      %swap3A_275 = tpu.vector_load %arg5[%swap3A_274] {strides = array<i32>} : memref<32768xf32, #tpu.memory_space<vmem>>, vector<16xf32>,
      %swap3A_276 = vector.shape_cast %swap3A_275 : vector<16xf32> to vector<16xf32>
      %swap3A_277 = vector.shape_cast %max3A_273 : vector<16xf32> to vector<16xf32>
      tpu.vector_store %arg5[%swap3A_274], %swap3A_277 {strides = array<i32>} : memref<32768xf32, #tpu.memory_space<vmem>>, vector<16xf32>,
      %add3A_278 = arith.constant 192 : i32
      %add3A_279 = arith.addi %add3A_148, %add3A_278 : i32
      %get3A_280 = arith.index_cast %add3A_279 : i32 to index
      %get3A_281 = tpu.vector_load %arg5[%get3A_280] {strides = array<i32>} : memref<32768xf32, #tpu.memory_space<vmem>>, vector<16xf32>,
      %get3A_282 = vector.shape_cast %get3A_281 : vector<16xf32> to vector<16xf32>
      %min3A_283 = arith.minimumf %get3A_282, %broadcast_in_dim3A_41 : vector<16xf32>
      %max3A_284 = arith.maximumf %min3A_283, %broadcast_in_dim3A : vector<16xf32>
      %swap3A_285 = arith.index_cast %add3A_279 : i32 to index
      %swap3A_286 = tpu.vector_load %arg5[%swap3A_285] {strides = array<i32>} : memref<32768xf32, #tpu.memory_space<vmem>>, vector<16xf32>,
      %swap3A_287 = vector.shape_cast %swap3A_286 : vector<16xf32> to vector<16xf32>
      %swap3A_288 = vector.shape_cast %max3A_284 : vector<16xf32> to vector<16xf32>
      tpu.vector_store %arg5[%swap3A_285], %swap3A_288 {strides = array<i32>} : memref<32768xf32, #tpu.memory_space<vmem>>, vector<16xf32>,
      %add3A_289 = arith.constant 208 : i32
      %add3A_290 = arith.addi %add3A_148, %add3A_289 : i32
      %get3A_291 = arith.index_cast %add3A_290 : i32 to index
      %get3A_292 = tpu.vector_load %arg5[%get3A_291] {strides = array<i32>} : memref<32768xf32, #tpu.memory_space<vmem>>, vector<16xf32>,
      %get3A_293 = vector.shape_cast %get3A_292 : vector<16xf32> to vector<16xf32>
      %min3A_294 = arith.minimumf %get3A_293, %broadcast_in_dim3A_41 : vector<16xf32>
      %max3A_295 = arith.maximumf %min3A_294, %broadcast_in_dim3A : vector<16xf32>
      %swap3A_296 = arith.index_cast %add3A_290 : i32 to index
      %swap3A_297 = tpu.vector_load %arg5[%swap3A_296] {strides = array<i32>} : memref<32768xf32, #tpu.memory_space<vmem>>, vector<16xf32>,
      %swap3A_298 = vector.shape_cast %swap3A_297 : vector<16xf32> to vector<16xf32>
      %swap3A_299 = vector.shape_cast %max3A_295 : vector<16xf32> to vector<16xf32>
      tpu.vector_store %arg5[%swap3A_296], %swap3A_299 {strides = array<i32>} : memref<32768xf32, #tpu.memory_space<vmem>>, vector<16xf32>,
      %add3A_300 = arith.constant 224 : i32
      %add3A_301 = arith.addi %add3A_148, %add3A_300 : i32
      %get3A_302 = arith.index_cast %add3A_301 : i32 to index
      %get3A_303 = tpu.vector_load %arg5[%get3A_302] {strides = array<i32>} : memref<32768xf32, #tpu.memory_space<vmem>>, vector<16xf32>,
      %get3A_304 = vector.shape_cast %get3A_303 : vector<16xf32> to vector<16xf32>
      %min3A_305 = arith.minimumf %get3A_304, %broadcast_in_dim3A_41 : vector<16xf32>
      %max3A_306 = arith.maximumf %min3A_305, %broadcast_in_dim3A : vector<16xf32>
      %swap3A_307 = arith.index_cast %add3A_301 : i32 to index
      %swap3A_308 = tpu.vector_load %arg5[%swap3A_307] {strides = array<i32>} : memref<32768xf32, #tpu.memory_space<vmem>>, vector<16xf32>,
      %swap3A_309 = vector.shape_cast %swap3A_308 : vector<16xf32> to vector<16xf32>
      %swap3A_310 = vector.shape_cast %max3A_306 : vector<16xf32> to vector<16xf32>
      tpu.vector_store %arg5[%swap3A_307], %swap3A_310 {strides = array<i32>} : memref<32768xf32, #tpu.memory_space<vmem>>, vector<16xf32>,
      %add3A_311 = arith.constant 240 : i32
      %add3A_312 = arith.addi %add3A_148, %add3A_311 : i32
      %get3A_313 = arith.index_cast %add3A_312 : i32 to index
      %get3A_314 = tpu.vector_load %arg5[%get3A_313] {strides = array<i32>} : memref<32768xf32, #tpu.memory_space<vmem>>, vector<16xf32>,
      %get3A_315 = vector.shape_cast %get3A_314 : vector<16xf32> to vector<16xf32>
      %min3A_316 = arith.minimumf %get3A_315, %broadcast_in_dim3A_41 : vector<16xf32>
      %max3A_317 = arith.maximumf %min3A_316, %broadcast_in_dim3A : vector<16xf32>
      %swap3A_318 = arith.index_cast %add3A_312 : i32 to index
      %swap3A_319 = tpu.vector_load %arg5[%swap3A_318] {strides = array<i32>} : memref<32768xf32, #tpu.memory_space<vmem>>, vector<16xf32>,
      %swap3A_320 = vector.shape_cast %swap3A_319 : vector<16xf32> to vector<16xf32>
      %swap3A_321 = vector.shape_cast %max3A_317 : vector<16xf32> to vector<16xf32>
      tpu.vector_store %arg5[%swap3A_318], %swap3A_321 {strides = array<i32>} : memref<32768xf32, #tpu.memory_space<vmem>>, vector<16xf32>,
    }
    %scan3A_71 = arith.constant 32 : i32
    %add3A_72 = arith.constant 8192 : i32
    %add3A_73 = arith.addi %mul3A_2, %add3A_72 : i32
    %dma_start3A_74 = arith.constant 8192 : i32
    %dma_start3A_75 = tpu.memref_slice %arg5[%dma_start3A_74] : memref<32768xf32, #tpu.memory_space<vmem>> -> memref<8192xf32, #tpu.memory_space<vmem>>
    %dma_start3A_76 = tpu.memref_slice %arg4[%add3A_73] : memref<524288xf32, #tpu.memory_space<hbm>> -> memref<8192xf32, #tpu.memory_space<hbm>>
    %dma_start3A_77 = tpu.memref_slice %arg4[%add3A_73] : memref<524288xf32, #tpu.memory_space<hbm>> -> memref<8192xf32, #tpu.memory_space<hbm>>
    %dma_start3A_78 = arith.constant 8192 : i32
    %dma_start3A_79 = tpu.memref_slice %arg5[%dma_start3A_78] : memref<32768xf32, #tpu.memory_space<vmem>> -> memref<8192xf32, #tpu.memory_space<vmem>>
    tpu.enqueue_dma source(%dma_start3A_79 : memref<8192xf32, #tpu.memory_space<vmem>>) target(%dma_start3A_77 : memref<8192xf32, #tpu.memory_space<hbm>>) target_semaphore(%arg12 : memref<!tpu.dma_semaphore, #tpu.memory_space<semaphore_mem>>)
    %dma_wait3A_80 = arith.constant 16384 : i32
    %dma_wait3A_81 = tpu.memref_slice %arg5[%dma_wait3A_80] : memref<32768xf32, #tpu.memory_space<vmem>> -> memref<8192xf32, #tpu.memory_space<vmem>>
    %dma_wait3A_82 = tpu.memref_slice %arg2[%add3A_19] : memref<524288xf32, #tpu.memory_space<hbm>> -> memref<8192xf32, #tpu.memory_space<hbm>>
    %dma_wait3A_83 = arith.constant 16384 : i32
    %dma_wait3A_84 = tpu.memref_slice %arg5[%dma_wait3A_83] : memref<32768xf32, #tpu.memory_space<vmem>> -> memref<8192xf32, #tpu.memory_space<vmem>>
    %dma_wait3A_85 = tpu.memref_slice %arg2[%add3A_19] : memref<524288xf32, #tpu.memory_space<hbm>> -> memref<8192xf32, #tpu.memory_space<hbm>>
    tpu.wait_dma2 semaphore(%arg9 : memref<!tpu.dma_semaphore, #tpu.memory_space<semaphore_mem>>) src(%dma_wait3A_85 : memref<8192xf32, #tpu.memory_space<hbm>>) dst(%dma_wait3A_84 : memref<8192xf32, #tpu.memory_space<vmem>>)
    %scan3A_86 = arith.constant 0 : i32
    %scan3A_87 = arith.constant 0 : i32
    %scan3A_88 = arith.constant 32 : i32
    %scan3A_89 = arith.addi %scan3A_87, %scan3A_88 : i32
    %scan3A_90 = arith.constant 1 : i32
    scf.for %scan3A_144 = %scan3A_87 to %scan3A_89 step %scan3A_90  : i32 {
      %mul3A_145 = arith.constant 256 : i32
      %mul3A_146 = arith.muli %scan3A_144, %mul3A_145 : i32
      %add3A_147 = arith.constant 16384 : i32
      %add3A_148 = arith.addi %add3A_147, %mul3A_146 : i32
      %add3A_149 = arith.constant 0 : i32
      %add3A_150 = arith.addi %add3A_148, %add3A_149 : i32
      %get3A_151 = arith.index_cast %add3A_150 : i32 to index
      %get3A_152 = tpu.vector_load %arg5[%get3A_151] {strides = array<i32>} : memref<32768xf32, #tpu.memory_space<vmem>>, vector<16xf32>,
      %get3A_153 = vector.shape_cast %get3A_152 : vector<16xf32> to vector<16xf32>
      %min3A = arith.minimumf %get3A_153, %broadcast_in_dim3A_41 : vector<16xf32>
      %max3A = arith.maximumf %min3A, %broadcast_in_dim3A : vector<16xf32>
      %swap3A = arith.index_cast %add3A_150 : i32 to index
      %swap3A_154 = tpu.vector_load %arg5[%swap3A] {strides = array<i32>} : memref<32768xf32, #tpu.memory_space<vmem>>, vector<16xf32>,
      %swap3A_155 = vector.shape_cast %swap3A_154 : vector<16xf32> to vector<16xf32>
      %swap3A_156 = vector.shape_cast %max3A : vector<16xf32> to vector<16xf32>
      tpu.vector_store %arg5[%swap3A], %swap3A_156 {strides = array<i32>} : memref<32768xf32, #tpu.memory_space<vmem>>, vector<16xf32>,
      %add3A_157 = arith.constant 16 : i32
      %add3A_158 = arith.addi %add3A_148, %add3A_157 : i32
      %get3A_159 = arith.index_cast %add3A_158 : i32 to index
      %get3A_160 = tpu.vector_load %arg5[%get3A_159] {strides = array<i32>} : memref<32768xf32, #tpu.memory_space<vmem>>, vector<16xf32>,
      %get3A_161 = vector.shape_cast %get3A_160 : vector<16xf32> to vector<16xf32>
      %min3A_162 = arith.minimumf %get3A_161, %broadcast_in_dim3A_41 : vector<16xf32>
      %max3A_163 = arith.maximumf %min3A_162, %broadcast_in_dim3A : vector<16xf32>
      %swap3A_164 = arith.index_cast %add3A_158 : i32 to index
      %swap3A_165 = tpu.vector_load %arg5[%swap3A_164] {strides = array<i32>} : memref<32768xf32, #tpu.memory_space<vmem>>, vector<16xf32>,
      %swap3A_166 = vector.shape_cast %swap3A_165 : vector<16xf32> to vector<16xf32>
      %swap3A_167 = vector.shape_cast %max3A_163 : vector<16xf32> to vector<16xf32>
      tpu.vector_store %arg5[%swap3A_164], %swap3A_167 {strides = array<i32>} : memref<32768xf32, #tpu.memory_space<vmem>>, vector<16xf32>,
      %add3A_168 = arith.constant 32 : i32
      %add3A_169 = arith.addi %add3A_148, %add3A_168 : i32
      %get3A_170 = arith.index_cast %add3A_169 : i32 to index
      %get3A_171 = tpu.vector_load %arg5[%get3A_170] {strides = array<i32>} : memref<32768xf32, #tpu.memory_space<vmem>>, vector<16xf32>,
      %get3A_172 = vector.shape_cast %get3A_171 : vector<16xf32> to vector<16xf32>
      %min3A_173 = arith.minimumf %get3A_172, %broadcast_in_dim3A_41 : vector<16xf32>
      %max3A_174 = arith.maximumf %min3A_173, %broadcast_in_dim3A : vector<16xf32>
      %swap3A_175 = arith.index_cast %add3A_169 : i32 to index
      %swap3A_176 = tpu.vector_load %arg5[%swap3A_175] {strides = array<i32>} : memref<32768xf32, #tpu.memory_space<vmem>>, vector<16xf32>,
      %swap3A_177 = vector.shape_cast %swap3A_176 : vector<16xf32> to vector<16xf32>
      %swap3A_178 = vector.shape_cast %max3A_174 : vector<16xf32> to vector<16xf32>
      tpu.vector_store %arg5[%swap3A_175], %swap3A_178 {strides = array<i32>} : memref<32768xf32, #tpu.memory_space<vmem>>, vector<16xf32>,
      %add3A_179 = arith.constant 48 : i32
      %add3A_180 = arith.addi %add3A_148, %add3A_179 : i32
      %get3A_181 = arith.index_cast %add3A_180 : i32 to index
      %get3A_182 = tpu.vector_load %arg5[%get3A_181] {strides = array<i32>} : memref<32768xf32, #tpu.memory_space<vmem>>, vector<16xf32>,
      %get3A_183 = vector.shape_cast %get3A_182 : vector<16xf32> to vector<16xf32>
      %min3A_184 = arith.minimumf %get3A_183, %broadcast_in_dim3A_41 : vector<16xf32>
      %max3A_185 = arith.maximumf %min3A_184, %broadcast_in_dim3A : vector<16xf32>
      %swap3A_186 = arith.index_cast %add3A_180 : i32 to index
      %swap3A_187 = tpu.vector_load %arg5[%swap3A_186] {strides = array<i32>} : memref<32768xf32, #tpu.memory_space<vmem>>, vector<16xf32>,
      %swap3A_188 = vector.shape_cast %swap3A_187 : vector<16xf32> to vector<16xf32>
      %swap3A_189 = vector.shape_cast %max3A_185 : vector<16xf32> to vector<16xf32>
      tpu.vector_store %arg5[%swap3A_186], %swap3A_189 {strides = array<i32>} : memref<32768xf32, #tpu.memory_space<vmem>>, vector<16xf32>,
      %add3A_190 = arith.constant 64 : i32
      %add3A_191 = arith.addi %add3A_148, %add3A_190 : i32
      %get3A_192 = arith.index_cast %add3A_191 : i32 to index
      %get3A_193 = tpu.vector_load %arg5[%get3A_192] {strides = array<i32>} : memref<32768xf32, #tpu.memory_space<vmem>>, vector<16xf32>,
      %get3A_194 = vector.shape_cast %get3A_193 : vector<16xf32> to vector<16xf32>
      %min3A_195 = arith.minimumf %get3A_194, %broadcast_in_dim3A_41 : vector<16xf32>
      %max3A_196 = arith.maximumf %min3A_195, %broadcast_in_dim3A : vector<16xf32>
      %swap3A_197 = arith.index_cast %add3A_191 : i32 to index
      %swap3A_198 = tpu.vector_load %arg5[%swap3A_197] {strides = array<i32>} : memref<32768xf32, #tpu.memory_space<vmem>>, vector<16xf32>,
      %swap3A_199 = vector.shape_cast %swap3A_198 : vector<16xf32> to vector<16xf32>
      %swap3A_200 = vector.shape_cast %max3A_196 : vector<16xf32> to vector<16xf32>
      tpu.vector_store %arg5[%swap3A_197], %swap3A_200 {strides = array<i32>} : memref<32768xf32, #tpu.memory_space<vmem>>, vector<16xf32>,
      %add3A_201 = arith.constant 80 : i32
      %add3A_202 = arith.addi %add3A_148, %add3A_201 : i32
      %get3A_203 = arith.index_cast %add3A_202 : i32 to index
      %get3A_204 = tpu.vector_load %arg5[%get3A_203] {strides = array<i32>} : memref<32768xf32, #tpu.memory_space<vmem>>, vector<16xf32>,
      %get3A_205 = vector.shape_cast %get3A_204 : vector<16xf32> to vector<16xf32>
      %min3A_206 = arith.minimumf %get3A_205, %broadcast_in_dim3A_41 : vector<16xf32>
      %max3A_207 = arith.maximumf %min3A_206, %broadcast_in_dim3A : vector<16xf32>
      %swap3A_208 = arith.index_cast %add3A_202 : i32 to index
      %swap3A_209 = tpu.vector_load %arg5[%swap3A_208] {strides = array<i32>} : memref<32768xf32, #tpu.memory_space<vmem>>, vector<16xf32>,
      %swap3A_210 = vector.shape_cast %swap3A_209 : vector<16xf32> to vector<16xf32>
      %swap3A_211 = vector.shape_cast %max3A_207 : vector<16xf32> to vector<16xf32>
      tpu.vector_store %arg5[%swap3A_208], %swap3A_211 {strides = array<i32>} : memref<32768xf32, #tpu.memory_space<vmem>>, vector<16xf32>,
      %add3A_212 = arith.constant 96 : i32
      %add3A_213 = arith.addi %add3A_148, %add3A_212 : i32
      %get3A_214 = arith.index_cast %add3A_213 : i32 to index
      %get3A_215 = tpu.vector_load %arg5[%get3A_214] {strides = array<i32>} : memref<32768xf32, #tpu.memory_space<vmem>>, vector<16xf32>,
      %get3A_216 = vector.shape_cast %get3A_215 : vector<16xf32> to vector<16xf32>
      %min3A_217 = arith.minimumf %get3A_216, %broadcast_in_dim3A_41 : vector<16xf32>
      %max3A_218 = arith.maximumf %min3A_217, %broadcast_in_dim3A : vector<16xf32>
      %swap3A_219 = arith.index_cast %add3A_213 : i32 to index
      %swap3A_220 = tpu.vector_load %arg5[%swap3A_219] {strides = array<i32>} : memref<32768xf32, #tpu.memory_space<vmem>>, vector<16xf32>,
      %swap3A_221 = vector.shape_cast %swap3A_220 : vector<16xf32> to vector<16xf32>
      %swap3A_222 = vector.shape_cast %max3A_218 : vector<16xf32> to vector<16xf32>
      tpu.vector_store %arg5[%swap3A_219], %swap3A_222 {strides = array<i32>} : memref<32768xf32, #tpu.memory_space<vmem>>, vector<16xf32>,
      %add3A_223 = arith.constant 112 : i32
      %add3A_224 = arith.addi %add3A_148, %add3A_223 : i32
      %get3A_225 = arith.index_cast %add3A_224 : i32 to index
      %get3A_226 = tpu.vector_load %arg5[%get3A_225] {strides = array<i32>} : memref<32768xf32, #tpu.memory_space<vmem>>, vector<16xf32>,
      %get3A_227 = vector.shape_cast %get3A_226 : vector<16xf32> to vector<16xf32>
      %min3A_228 = arith.minimumf %get3A_227, %broadcast_in_dim3A_41 : vector<16xf32>
      %max3A_229 = arith.maximumf %min3A_228, %broadcast_in_dim3A : vector<16xf32>
      %swap3A_230 = arith.index_cast %add3A_224 : i32 to index
      %swap3A_231 = tpu.vector_load %arg5[%swap3A_230] {strides = array<i32>} : memref<32768xf32, #tpu.memory_space<vmem>>, vector<16xf32>,
      %swap3A_232 = vector.shape_cast %swap3A_231 : vector<16xf32> to vector<16xf32>
      %swap3A_233 = vector.shape_cast %max3A_229 : vector<16xf32> to vector<16xf32>
      tpu.vector_store %arg5[%swap3A_230], %swap3A_233 {strides = array<i32>} : memref<32768xf32, #tpu.memory_space<vmem>>, vector<16xf32>,
      %add3A_234 = arith.constant 128 : i32
      %add3A_235 = arith.addi %add3A_148, %add3A_234 : i32
      %get3A_236 = arith.index_cast %add3A_235 : i32 to index
      %get3A_237 = tpu.vector_load %arg5[%get3A_236] {strides = array<i32>} : memref<32768xf32, #tpu.memory_space<vmem>>, vector<16xf32>,
      %get3A_238 = vector.shape_cast %get3A_237 : vector<16xf32> to vector<16xf32>
      %min3A_239 = arith.minimumf %get3A_238, %broadcast_in_dim3A_41 : vector<16xf32>
      %max3A_240 = arith.maximumf %min3A_239, %broadcast_in_dim3A : vector<16xf32>
      %swap3A_241 = arith.index_cast %add3A_235 : i32 to index
      %swap3A_242 = tpu.vector_load %arg5[%swap3A_241] {strides = array<i32>} : memref<32768xf32, #tpu.memory_space<vmem>>, vector<16xf32>,
      %swap3A_243 = vector.shape_cast %swap3A_242 : vector<16xf32> to vector<16xf32>
      %swap3A_244 = vector.shape_cast %max3A_240 : vector<16xf32> to vector<16xf32>
      tpu.vector_store %arg5[%swap3A_241], %swap3A_244 {strides = array<i32>} : memref<32768xf32, #tpu.memory_space<vmem>>, vector<16xf32>,
      %add3A_245 = arith.constant 144 : i32
      %add3A_246 = arith.addi %add3A_148, %add3A_245 : i32
      %get3A_247 = arith.index_cast %add3A_246 : i32 to index
      %get3A_248 = tpu.vector_load %arg5[%get3A_247] {strides = array<i32>} : memref<32768xf32, #tpu.memory_space<vmem>>, vector<16xf32>,
      %get3A_249 = vector.shape_cast %get3A_248 : vector<16xf32> to vector<16xf32>
      %min3A_250 = arith.minimumf %get3A_249, %broadcast_in_dim3A_41 : vector<16xf32>
      %max3A_251 = arith.maximumf %min3A_250, %broadcast_in_dim3A : vector<16xf32>
      %swap3A_252 = arith.index_cast %add3A_246 : i32 to index
      %swap3A_253 = tpu.vector_load %arg5[%swap3A_252] {strides = array<i32>} : memref<32768xf32, #tpu.memory_space<vmem>>, vector<16xf32>,
      %swap3A_254 = vector.shape_cast %swap3A_253 : vector<16xf32> to vector<16xf32>
      %swap3A_255 = vector.shape_cast %max3A_251 : vector<16xf32> to vector<16xf32>
      tpu.vector_store %arg5[%swap3A_252], %swap3A_255 {strides = array<i32>} : memref<32768xf32, #tpu.memory_space<vmem>>, vector<16xf32>,
      %add3A_256 = arith.constant 160 : i32
      %add3A_257 = arith.addi %add3A_148, %add3A_256 : i32
      %get3A_258 = arith.index_cast %add3A_257 : i32 to index
      %get3A_259 = tpu.vector_load %arg5[%get3A_258] {strides = array<i32>} : memref<32768xf32, #tpu.memory_space<vmem>>, vector<16xf32>,
      %get3A_260 = vector.shape_cast %get3A_259 : vector<16xf32> to vector<16xf32>
      %min3A_261 = arith.minimumf %get3A_260, %broadcast_in_dim3A_41 : vector<16xf32>
      %max3A_262 = arith.maximumf %min3A_261, %broadcast_in_dim3A : vector<16xf32>
      %swap3A_263 = arith.index_cast %add3A_257 : i32 to index
      %swap3A_264 = tpu.vector_load %arg5[%swap3A_263] {strides = array<i32>} : memref<32768xf32, #tpu.memory_space<vmem>>, vector<16xf32>,
      %swap3A_265 = vector.shape_cast %swap3A_264 : vector<16xf32> to vector<16xf32>
      %swap3A_266 = vector.shape_cast %max3A_262 : vector<16xf32> to vector<16xf32>
      tpu.vector_store %arg5[%swap3A_263], %swap3A_266 {strides = array<i32>} : memref<32768xf32, #tpu.memory_space<vmem>>, vector<16xf32>,
      %add3A_267 = arith.constant 176 : i32
      %add3A_268 = arith.addi %add3A_148, %add3A_267 : i32
      %get3A_269 = arith.index_cast %add3A_268 : i32 to index
      %get3A_270 = tpu.vector_load %arg5[%get3A_269] {strides = array<i32>} : memref<32768xf32, #tpu.memory_space<vmem>>, vector<16xf32>,
      %get3A_271 = vector.shape_cast %get3A_270 : vector<16xf32> to vector<16xf32>
      %min3A_272 = arith.minimumf %get3A_271, %broadcast_in_dim3A_41 : vector<16xf32>
      %max3A_273 = arith.maximumf %min3A_272, %broadcast_in_dim3A : vector<16xf32>
      %swap3A_274 = arith.index_cast %add3A_268 : i32 to index
      %swap3A_275 = tpu.vector_load %arg5[%swap3A_274] {strides = array<i32>} : memref<32768xf32, #tpu.memory_space<vmem>>, vector<16xf32>,
      %swap3A_276 = vector.shape_cast %swap3A_275 : vector<16xf32> to vector<16xf32>
      %swap3A_277 = vector.shape_cast %max3A_273 : vector<16xf32> to vector<16xf32>
      tpu.vector_store %arg5[%swap3A_274], %swap3A_277 {strides = array<i32>} : memref<32768xf32, #tpu.memory_space<vmem>>, vector<16xf32>,
      %add3A_278 = arith.constant 192 : i32
      %add3A_279 = arith.addi %add3A_148, %add3A_278 : i32
      %get3A_280 = arith.index_cast %add3A_279 : i32 to index
      %get3A_281 = tpu.vector_load %arg5[%get3A_280] {strides = array<i32>} : memref<32768xf32, #tpu.memory_space<vmem>>, vector<16xf32>,
      %get3A_282 = vector.shape_cast %get3A_281 : vector<16xf32> to vector<16xf32>
      %min3A_283 = arith.minimumf %get3A_282, %broadcast_in_dim3A_41 : vector<16xf32>
      %max3A_284 = arith.maximumf %min3A_283, %broadcast_in_dim3A : vector<16xf32>
      %swap3A_285 = arith.index_cast %add3A_279 : i32 to index
      %swap3A_286 = tpu.vector_load %arg5[%swap3A_285] {strides = array<i32>} : memref<32768xf32, #tpu.memory_space<vmem>>, vector<16xf32>,
      %swap3A_287 = vector.shape_cast %swap3A_286 : vector<16xf32> to vector<16xf32>
      %swap3A_288 = vector.shape_cast %max3A_284 : vector<16xf32> to vector<16xf32>
      tpu.vector_store %arg5[%swap3A_285], %swap3A_288 {strides = array<i32>} : memref<32768xf32, #tpu.memory_space<vmem>>, vector<16xf32>,
      %add3A_289 = arith.constant 208 : i32
      %add3A_290 = arith.addi %add3A_148, %add3A_289 : i32
      %get3A_291 = arith.index_cast %add3A_290 : i32 to index
      %get3A_292 = tpu.vector_load %arg5[%get3A_291] {strides = array<i32>} : memref<32768xf32, #tpu.memory_space<vmem>>, vector<16xf32>,
      %get3A_293 = vector.shape_cast %get3A_292 : vector<16xf32> to vector<16xf32>
      %min3A_294 = arith.minimumf %get3A_293, %broadcast_in_dim3A_41 : vector<16xf32>
      %max3A_295 = arith.maximumf %min3A_294, %broadcast_in_dim3A : vector<16xf32>
      %swap3A_296 = arith.index_cast %add3A_290 : i32 to index
      %swap3A_297 = tpu.vector_load %arg5[%swap3A_296] {strides = array<i32>} : memref<32768xf32, #tpu.memory_space<vmem>>, vector<16xf32>,
      %swap3A_298 = vector.shape_cast %swap3A_297 : vector<16xf32> to vector<16xf32>
      %swap3A_299 = vector.shape_cast %max3A_295 : vector<16xf32> to vector<16xf32>
      tpu.vector_store %arg5[%swap3A_296], %swap3A_299 {strides = array<i32>} : memref<32768xf32, #tpu.memory_space<vmem>>, vector<16xf32>,
      %add3A_300 = arith.constant 224 : i32
      %add3A_301 = arith.addi %add3A_148, %add3A_300 : i32
      %get3A_302 = arith.index_cast %add3A_301 : i32 to index
      %get3A_303 = tpu.vector_load %arg5[%get3A_302] {strides = array<i32>} : memref<32768xf32, #tpu.memory_space<vmem>>, vector<16xf32>,
      %get3A_304 = vector.shape_cast %get3A_303 : vector<16xf32> to vector<16xf32>
      %min3A_305 = arith.minimumf %get3A_304, %broadcast_in_dim3A_41 : vector<16xf32>
      %max3A_306 = arith.maximumf %min3A_305, %broadcast_in_dim3A : vector<16xf32>
      %swap3A_307 = arith.index_cast %add3A_301 : i32 to index
      %swap3A_308 = tpu.vector_load %arg5[%swap3A_307] {strides = array<i32>} : memref<32768xf32, #tpu.memory_space<vmem>>, vector<16xf32>,
      %swap3A_309 = vector.shape_cast %swap3A_308 : vector<16xf32> to vector<16xf32>
      %swap3A_310 = vector.shape_cast %max3A_306 : vector<16xf32> to vector<16xf32>
      tpu.vector_store %arg5[%swap3A_307], %swap3A_310 {strides = array<i32>} : memref<32768xf32, #tpu.memory_space<vmem>>, vector<16xf32>,
      %add3A_311 = arith.constant 240 : i32
      %add3A_312 = arith.addi %add3A_148, %add3A_311 : i32
      %get3A_313 = arith.index_cast %add3A_312 : i32 to index
      %get3A_314 = tpu.vector_load %arg5[%get3A_313] {strides = array<i32>} : memref<32768xf32, #tpu.memory_space<vmem>>, vector<16xf32>,
      %get3A_315 = vector.shape_cast %get3A_314 : vector<16xf32> to vector<16xf32>
      %min3A_316 = arith.minimumf %get3A_315, %broadcast_in_dim3A_41 : vector<16xf32>
      %max3A_317 = arith.maximumf %min3A_316, %broadcast_in_dim3A : vector<16xf32>
      %swap3A_318 = arith.index_cast %add3A_312 : i32 to index
      %swap3A_319 = tpu.vector_load %arg5[%swap3A_318] {strides = array<i32>} : memref<32768xf32, #tpu.memory_space<vmem>>, vector<16xf32>,
      %swap3A_320 = vector.shape_cast %swap3A_319 : vector<16xf32> to vector<16xf32>
      %swap3A_321 = vector.shape_cast %max3A_317 : vector<16xf32> to vector<16xf32>
      tpu.vector_store %arg5[%swap3A_318], %swap3A_321 {strides = array<i32>} : memref<32768xf32, #tpu.memory_space<vmem>>, vector<16xf32>,
    }
    %scan3A_91 = arith.constant 32 : i32
    %add3A_92 = arith.constant 16384 : i32
    %add3A_93 = arith.addi %mul3A_2, %add3A_92 : i32
    %dma_start3A_94 = arith.constant 16384 : i32
    %dma_start3A_95 = tpu.memref_slice %arg5[%dma_start3A_94] : memref<32768xf32, #tpu.memory_space<vmem>> -> memref<8192xf32, #tpu.memory_space<vmem>>
    %dma_start3A_96 = tpu.memref_slice %arg4[%add3A_93] : memref<524288xf32, #tpu.memory_space<hbm>> -> memref<8192xf32, #tpu.memory_space<hbm>>
    %dma_start3A_97 = tpu.memref_slice %arg4[%add3A_93] : memref<524288xf32, #tpu.memory_space<hbm>> -> memref<8192xf32, #tpu.memory_space<hbm>>
    %dma_start3A_98 = arith.constant 16384 : i32
    %dma_start3A_99 = tpu.memref_slice %arg5[%dma_start3A_98] : memref<32768xf32, #tpu.memory_space<vmem>> -> memref<8192xf32, #tpu.memory_space<vmem>>
    tpu.enqueue_dma source(%dma_start3A_99 : memref<8192xf32, #tpu.memory_space<vmem>>) target(%dma_start3A_97 : memref<8192xf32, #tpu.memory_space<hbm>>) target_semaphore(%arg12 : memref<!tpu.dma_semaphore, #tpu.memory_space<semaphore_mem>>)
    %dma_wait3A_100 = arith.constant 24576 : i32
    %dma_wait3A_101 = tpu.memref_slice %arg5[%dma_wait3A_100] : memref<32768xf32, #tpu.memory_space<vmem>> -> memref<8192xf32, #tpu.memory_space<vmem>>
    %dma_wait3A_102 = tpu.memref_slice %arg2[%add3A_27] : memref<524288xf32, #tpu.memory_space<hbm>> -> memref<8192xf32, #tpu.memory_space<hbm>>
    %dma_wait3A_103 = arith.constant 24576 : i32
    %dma_wait3A_104 = tpu.memref_slice %arg5[%dma_wait3A_103] : memref<32768xf32, #tpu.memory_space<vmem>> -> memref<8192xf32, #tpu.memory_space<vmem>>
    %dma_wait3A_105 = tpu.memref_slice %arg2[%add3A_27] : memref<524288xf32, #tpu.memory_space<hbm>> -> memref<8192xf32, #tpu.memory_space<hbm>>
    tpu.wait_dma2 semaphore(%arg10 : memref<!tpu.dma_semaphore, #tpu.memory_space<semaphore_mem>>) src(%dma_wait3A_105 : memref<8192xf32, #tpu.memory_space<hbm>>) dst(%dma_wait3A_104 : memref<8192xf32, #tpu.memory_space<vmem>>)
    %scan3A_106 = arith.constant 0 : i32
    %scan3A_107 = arith.constant 0 : i32
    %scan3A_108 = arith.constant 32 : i32
    %scan3A_109 = arith.addi %scan3A_107, %scan3A_108 : i32
    %scan3A_110 = arith.constant 1 : i32
    scf.for %scan3A_144 = %scan3A_107 to %scan3A_109 step %scan3A_110  : i32 {
      %mul3A_145 = arith.constant 256 : i32
      %mul3A_146 = arith.muli %scan3A_144, %mul3A_145 : i32
      %add3A_147 = arith.constant 24576 : i32
      %add3A_148 = arith.addi %add3A_147, %mul3A_146 : i32
      %add3A_149 = arith.constant 0 : i32
      %add3A_150 = arith.addi %add3A_148, %add3A_149 : i32
      %get3A_151 = arith.index_cast %add3A_150 : i32 to index
      %get3A_152 = tpu.vector_load %arg5[%get3A_151] {strides = array<i32>} : memref<32768xf32, #tpu.memory_space<vmem>>, vector<16xf32>,
      %get3A_153 = vector.shape_cast %get3A_152 : vector<16xf32> to vector<16xf32>
      %min3A = arith.minimumf %get3A_153, %broadcast_in_dim3A_41 : vector<16xf32>
      %max3A = arith.maximumf %min3A, %broadcast_in_dim3A : vector<16xf32>
      %swap3A = arith.index_cast %add3A_150 : i32 to index
      %swap3A_154 = tpu.vector_load %arg5[%swap3A] {strides = array<i32>} : memref<32768xf32, #tpu.memory_space<vmem>>, vector<16xf32>,
      %swap3A_155 = vector.shape_cast %swap3A_154 : vector<16xf32> to vector<16xf32>
      %swap3A_156 = vector.shape_cast %max3A : vector<16xf32> to vector<16xf32>
      tpu.vector_store %arg5[%swap3A], %swap3A_156 {strides = array<i32>} : memref<32768xf32, #tpu.memory_space<vmem>>, vector<16xf32>,
      %add3A_157 = arith.constant 16 : i32
      %add3A_158 = arith.addi %add3A_148, %add3A_157 : i32
      %get3A_159 = arith.index_cast %add3A_158 : i32 to index
      %get3A_160 = tpu.vector_load %arg5[%get3A_159] {strides = array<i32>} : memref<32768xf32, #tpu.memory_space<vmem>>, vector<16xf32>,
      %get3A_161 = vector.shape_cast %get3A_160 : vector<16xf32> to vector<16xf32>
      %min3A_162 = arith.minimumf %get3A_161, %broadcast_in_dim3A_41 : vector<16xf32>
      %max3A_163 = arith.maximumf %min3A_162, %broadcast_in_dim3A : vector<16xf32>
      %swap3A_164 = arith.index_cast %add3A_158 : i32 to index
      %swap3A_165 = tpu.vector_load %arg5[%swap3A_164] {strides = array<i32>} : memref<32768xf32, #tpu.memory_space<vmem>>, vector<16xf32>,
      %swap3A_166 = vector.shape_cast %swap3A_165 : vector<16xf32> to vector<16xf32>
      %swap3A_167 = vector.shape_cast %max3A_163 : vector<16xf32> to vector<16xf32>
      tpu.vector_store %arg5[%swap3A_164], %swap3A_167 {strides = array<i32>} : memref<32768xf32, #tpu.memory_space<vmem>>, vector<16xf32>,
      %add3A_168 = arith.constant 32 : i32
      %add3A_169 = arith.addi %add3A_148, %add3A_168 : i32
      %get3A_170 = arith.index_cast %add3A_169 : i32 to index
      %get3A_171 = tpu.vector_load %arg5[%get3A_170] {strides = array<i32>} : memref<32768xf32, #tpu.memory_space<vmem>>, vector<16xf32>,
      %get3A_172 = vector.shape_cast %get3A_171 : vector<16xf32> to vector<16xf32>
      %min3A_173 = arith.minimumf %get3A_172, %broadcast_in_dim3A_41 : vector<16xf32>
      %max3A_174 = arith.maximumf %min3A_173, %broadcast_in_dim3A : vector<16xf32>
      %swap3A_175 = arith.index_cast %add3A_169 : i32 to index
      %swap3A_176 = tpu.vector_load %arg5[%swap3A_175] {strides = array<i32>} : memref<32768xf32, #tpu.memory_space<vmem>>, vector<16xf32>,
      %swap3A_177 = vector.shape_cast %swap3A_176 : vector<16xf32> to vector<16xf32>
      %swap3A_178 = vector.shape_cast %max3A_174 : vector<16xf32> to vector<16xf32>
      tpu.vector_store %arg5[%swap3A_175], %swap3A_178 {strides = array<i32>} : memref<32768xf32, #tpu.memory_space<vmem>>, vector<16xf32>,
      %add3A_179 = arith.constant 48 : i32
      %add3A_180 = arith.addi %add3A_148, %add3A_179 : i32
      %get3A_181 = arith.index_cast %add3A_180 : i32 to index
      %get3A_182 = tpu.vector_load %arg5[%get3A_181] {strides = array<i32>} : memref<32768xf32, #tpu.memory_space<vmem>>, vector<16xf32>,
      %get3A_183 = vector.shape_cast %get3A_182 : vector<16xf32> to vector<16xf32>
      %min3A_184 = arith.minimumf %get3A_183, %broadcast_in_dim3A_41 : vector<16xf32>
      %max3A_185 = arith.maximumf %min3A_184, %broadcast_in_dim3A : vector<16xf32>
      %swap3A_186 = arith.index_cast %add3A_180 : i32 to index
      %swap3A_187 = tpu.vector_load %arg5[%swap3A_186] {strides = array<i32>} : memref<32768xf32, #tpu.memory_space<vmem>>, vector<16xf32>,
      %swap3A_188 = vector.shape_cast %swap3A_187 : vector<16xf32> to vector<16xf32>
      %swap3A_189 = vector.shape_cast %max3A_185 : vector<16xf32> to vector<16xf32>
      tpu.vector_store %arg5[%swap3A_186], %swap3A_189 {strides = array<i32>} : memref<32768xf32, #tpu.memory_space<vmem>>, vector<16xf32>,
      %add3A_190 = arith.constant 64 : i32
      %add3A_191 = arith.addi %add3A_148, %add3A_190 : i32
      %get3A_192 = arith.index_cast %add3A_191 : i32 to index
      %get3A_193 = tpu.vector_load %arg5[%get3A_192] {strides = array<i32>} : memref<32768xf32, #tpu.memory_space<vmem>>, vector<16xf32>,
      %get3A_194 = vector.shape_cast %get3A_193 : vector<16xf32> to vector<16xf32>
      %min3A_195 = arith.minimumf %get3A_194, %broadcast_in_dim3A_41 : vector<16xf32>
      %max3A_196 = arith.maximumf %min3A_195, %broadcast_in_dim3A : vector<16xf32>
      %swap3A_197 = arith.index_cast %add3A_191 : i32 to index
      %swap3A_198 = tpu.vector_load %arg5[%swap3A_197] {strides = array<i32>} : memref<32768xf32, #tpu.memory_space<vmem>>, vector<16xf32>,
      %swap3A_199 = vector.shape_cast %swap3A_198 : vector<16xf32> to vector<16xf32>
      %swap3A_200 = vector.shape_cast %max3A_196 : vector<16xf32> to vector<16xf32>
      tpu.vector_store %arg5[%swap3A_197], %swap3A_200 {strides = array<i32>} : memref<32768xf32, #tpu.memory_space<vmem>>, vector<16xf32>,
      %add3A_201 = arith.constant 80 : i32
      %add3A_202 = arith.addi %add3A_148, %add3A_201 : i32
      %get3A_203 = arith.index_cast %add3A_202 : i32 to index
      %get3A_204 = tpu.vector_load %arg5[%get3A_203] {strides = array<i32>} : memref<32768xf32, #tpu.memory_space<vmem>>, vector<16xf32>,
      %get3A_205 = vector.shape_cast %get3A_204 : vector<16xf32> to vector<16xf32>
      %min3A_206 = arith.minimumf %get3A_205, %broadcast_in_dim3A_41 : vector<16xf32>
      %max3A_207 = arith.maximumf %min3A_206, %broadcast_in_dim3A : vector<16xf32>
      %swap3A_208 = arith.index_cast %add3A_202 : i32 to index
      %swap3A_209 = tpu.vector_load %arg5[%swap3A_208] {strides = array<i32>} : memref<32768xf32, #tpu.memory_space<vmem>>, vector<16xf32>,
      %swap3A_210 = vector.shape_cast %swap3A_209 : vector<16xf32> to vector<16xf32>
      %swap3A_211 = vector.shape_cast %max3A_207 : vector<16xf32> to vector<16xf32>
      tpu.vector_store %arg5[%swap3A_208], %swap3A_211 {strides = array<i32>} : memref<32768xf32, #tpu.memory_space<vmem>>, vector<16xf32>,
      %add3A_212 = arith.constant 96 : i32
      %add3A_213 = arith.addi %add3A_148, %add3A_212 : i32
      %get3A_214 = arith.index_cast %add3A_213 : i32 to index
      %get3A_215 = tpu.vector_load %arg5[%get3A_214] {strides = array<i32>} : memref<32768xf32, #tpu.memory_space<vmem>>, vector<16xf32>,
      %get3A_216 = vector.shape_cast %get3A_215 : vector<16xf32> to vector<16xf32>
      %min3A_217 = arith.minimumf %get3A_216, %broadcast_in_dim3A_41 : vector<16xf32>
      %max3A_218 = arith.maximumf %min3A_217, %broadcast_in_dim3A : vector<16xf32>
      %swap3A_219 = arith.index_cast %add3A_213 : i32 to index
      %swap3A_220 = tpu.vector_load %arg5[%swap3A_219] {strides = array<i32>} : memref<32768xf32, #tpu.memory_space<vmem>>, vector<16xf32>,
      %swap3A_221 = vector.shape_cast %swap3A_220 : vector<16xf32> to vector<16xf32>
      %swap3A_222 = vector.shape_cast %max3A_218 : vector<16xf32> to vector<16xf32>
      tpu.vector_store %arg5[%swap3A_219], %swap3A_222 {strides = array<i32>} : memref<32768xf32, #tpu.memory_space<vmem>>, vector<16xf32>,
      %add3A_223 = arith.constant 112 : i32
      %add3A_224 = arith.addi %add3A_148, %add3A_223 : i32
      %get3A_225 = arith.index_cast %add3A_224 : i32 to index
      %get3A_226 = tpu.vector_load %arg5[%get3A_225] {strides = array<i32>} : memref<32768xf32, #tpu.memory_space<vmem>>, vector<16xf32>,
      %get3A_227 = vector.shape_cast %get3A_226 : vector<16xf32> to vector<16xf32>
      %min3A_228 = arith.minimumf %get3A_227, %broadcast_in_dim3A_41 : vector<16xf32>
      %max3A_229 = arith.maximumf %min3A_228, %broadcast_in_dim3A : vector<16xf32>
      %swap3A_230 = arith.index_cast %add3A_224 : i32 to index
      %swap3A_231 = tpu.vector_load %arg5[%swap3A_230] {strides = array<i32>} : memref<32768xf32, #tpu.memory_space<vmem>>, vector<16xf32>,
      %swap3A_232 = vector.shape_cast %swap3A_231 : vector<16xf32> to vector<16xf32>
      %swap3A_233 = vector.shape_cast %max3A_229 : vector<16xf32> to vector<16xf32>
      tpu.vector_store %arg5[%swap3A_230], %swap3A_233 {strides = array<i32>} : memref<32768xf32, #tpu.memory_space<vmem>>, vector<16xf32>,
      %add3A_234 = arith.constant 128 : i32
      %add3A_235 = arith.addi %add3A_148, %add3A_234 : i32
      %get3A_236 = arith.index_cast %add3A_235 : i32 to index
      %get3A_237 = tpu.vector_load %arg5[%get3A_236] {strides = array<i32>} : memref<32768xf32, #tpu.memory_space<vmem>>, vector<16xf32>,
      %get3A_238 = vector.shape_cast %get3A_237 : vector<16xf32> to vector<16xf32>
      %min3A_239 = arith.minimumf %get3A_238, %broadcast_in_dim3A_41 : vector<16xf32>
      %max3A_240 = arith.maximumf %min3A_239, %broadcast_in_dim3A : vector<16xf32>
      %swap3A_241 = arith.index_cast %add3A_235 : i32 to index
      %swap3A_242 = tpu.vector_load %arg5[%swap3A_241] {strides = array<i32>} : memref<32768xf32, #tpu.memory_space<vmem>>, vector<16xf32>,
      %swap3A_243 = vector.shape_cast %swap3A_242 : vector<16xf32> to vector<16xf32>
      %swap3A_244 = vector.shape_cast %max3A_240 : vector<16xf32> to vector<16xf32>
      tpu.vector_store %arg5[%swap3A_241], %swap3A_244 {strides = array<i32>} : memref<32768xf32, #tpu.memory_space<vmem>>, vector<16xf32>,
      %add3A_245 = arith.constant 144 : i32
      %add3A_246 = arith.addi %add3A_148, %add3A_245 : i32
      %get3A_247 = arith.index_cast %add3A_246 : i32 to index
      %get3A_248 = tpu.vector_load %arg5[%get3A_247] {strides = array<i32>} : memref<32768xf32, #tpu.memory_space<vmem>>, vector<16xf32>,
      %get3A_249 = vector.shape_cast %get3A_248 : vector<16xf32> to vector<16xf32>
      %min3A_250 = arith.minimumf %get3A_249, %broadcast_in_dim3A_41 : vector<16xf32>
      %max3A_251 = arith.maximumf %min3A_250, %broadcast_in_dim3A : vector<16xf32>
      %swap3A_252 = arith.index_cast %add3A_246 : i32 to index
      %swap3A_253 = tpu.vector_load %arg5[%swap3A_252] {strides = array<i32>} : memref<32768xf32, #tpu.memory_space<vmem>>, vector<16xf32>,
      %swap3A_254 = vector.shape_cast %swap3A_253 : vector<16xf32> to vector<16xf32>
      %swap3A_255 = vector.shape_cast %max3A_251 : vector<16xf32> to vector<16xf32>
      tpu.vector_store %arg5[%swap3A_252], %swap3A_255 {strides = array<i32>} : memref<32768xf32, #tpu.memory_space<vmem>>, vector<16xf32>,
      %add3A_256 = arith.constant 160 : i32
      %add3A_257 = arith.addi %add3A_148, %add3A_256 : i32
      %get3A_258 = arith.index_cast %add3A_257 : i32 to index
      %get3A_259 = tpu.vector_load %arg5[%get3A_258] {strides = array<i32>} : memref<32768xf32, #tpu.memory_space<vmem>>, vector<16xf32>,
      %get3A_260 = vector.shape_cast %get3A_259 : vector<16xf32> to vector<16xf32>
      %min3A_261 = arith.minimumf %get3A_260, %broadcast_in_dim3A_41 : vector<16xf32>
      %max3A_262 = arith.maximumf %min3A_261, %broadcast_in_dim3A : vector<16xf32>
      %swap3A_263 = arith.index_cast %add3A_257 : i32 to index
      %swap3A_264 = tpu.vector_load %arg5[%swap3A_263] {strides = array<i32>} : memref<32768xf32, #tpu.memory_space<vmem>>, vector<16xf32>,
      %swap3A_265 = vector.shape_cast %swap3A_264 : vector<16xf32> to vector<16xf32>
      %swap3A_266 = vector.shape_cast %max3A_262 : vector<16xf32> to vector<16xf32>
      tpu.vector_store %arg5[%swap3A_263], %swap3A_266 {strides = array<i32>} : memref<32768xf32, #tpu.memory_space<vmem>>, vector<16xf32>,
      %add3A_267 = arith.constant 176 : i32
      %add3A_268 = arith.addi %add3A_148, %add3A_267 : i32
      %get3A_269 = arith.index_cast %add3A_268 : i32 to index
      %get3A_270 = tpu.vector_load %arg5[%get3A_269] {strides = array<i32>} : memref<32768xf32, #tpu.memory_space<vmem>>, vector<16xf32>,
      %get3A_271 = vector.shape_cast %get3A_270 : vector<16xf32> to vector<16xf32>
      %min3A_272 = arith.minimumf %get3A_271, %broadcast_in_dim3A_41 : vector<16xf32>
      %max3A_273 = arith.maximumf %min3A_272, %broadcast_in_dim3A : vector<16xf32>
      %swap3A_274 = arith.index_cast %add3A_268 : i32 to index
      %swap3A_275 = tpu.vector_load %arg5[%swap3A_274] {strides = array<i32>} : memref<32768xf32, #tpu.memory_space<vmem>>, vector<16xf32>,
      %swap3A_276 = vector.shape_cast %swap3A_275 : vector<16xf32> to vector<16xf32>
      %swap3A_277 = vector.shape_cast %max3A_273 : vector<16xf32> to vector<16xf32>
      tpu.vector_store %arg5[%swap3A_274], %swap3A_277 {strides = array<i32>} : memref<32768xf32, #tpu.memory_space<vmem>>, vector<16xf32>,
      %add3A_278 = arith.constant 192 : i32
      %add3A_279 = arith.addi %add3A_148, %add3A_278 : i32
      %get3A_280 = arith.index_cast %add3A_279 : i32 to index
      %get3A_281 = tpu.vector_load %arg5[%get3A_280] {strides = array<i32>} : memref<32768xf32, #tpu.memory_space<vmem>>, vector<16xf32>,
      %get3A_282 = vector.shape_cast %get3A_281 : vector<16xf32> to vector<16xf32>
      %min3A_283 = arith.minimumf %get3A_282, %broadcast_in_dim3A_41 : vector<16xf32>
      %max3A_284 = arith.maximumf %min3A_283, %broadcast_in_dim3A : vector<16xf32>
      %swap3A_285 = arith.index_cast %add3A_279 : i32 to index
      %swap3A_286 = tpu.vector_load %arg5[%swap3A_285] {strides = array<i32>} : memref<32768xf32, #tpu.memory_space<vmem>>, vector<16xf32>,
      %swap3A_287 = vector.shape_cast %swap3A_286 : vector<16xf32> to vector<16xf32>
      %swap3A_288 = vector.shape_cast %max3A_284 : vector<16xf32> to vector<16xf32>
      tpu.vector_store %arg5[%swap3A_285], %swap3A_288 {strides = array<i32>} : memref<32768xf32, #tpu.memory_space<vmem>>, vector<16xf32>,
      %add3A_289 = arith.constant 208 : i32
      %add3A_290 = arith.addi %add3A_148, %add3A_289 : i32
      %get3A_291 = arith.index_cast %add3A_290 : i32 to index
      %get3A_292 = tpu.vector_load %arg5[%get3A_291] {strides = array<i32>} : memref<32768xf32, #tpu.memory_space<vmem>>, vector<16xf32>,
      %get3A_293 = vector.shape_cast %get3A_292 : vector<16xf32> to vector<16xf32>
      %min3A_294 = arith.minimumf %get3A_293, %broadcast_in_dim3A_41 : vector<16xf32>
      %max3A_295 = arith.maximumf %min3A_294, %broadcast_in_dim3A : vector<16xf32>
      %swap3A_296 = arith.index_cast %add3A_290 : i32 to index
      %swap3A_297 = tpu.vector_load %arg5[%swap3A_296] {strides = array<i32>} : memref<32768xf32, #tpu.memory_space<vmem>>, vector<16xf32>,
      %swap3A_298 = vector.shape_cast %swap3A_297 : vector<16xf32> to vector<16xf32>
      %swap3A_299 = vector.shape_cast %max3A_295 : vector<16xf32> to vector<16xf32>
      tpu.vector_store %arg5[%swap3A_296], %swap3A_299 {strides = array<i32>} : memref<32768xf32, #tpu.memory_space<vmem>>, vector<16xf32>,
      %add3A_300 = arith.constant 224 : i32
      %add3A_301 = arith.addi %add3A_148, %add3A_300 : i32
      %get3A_302 = arith.index_cast %add3A_301 : i32 to index
      %get3A_303 = tpu.vector_load %arg5[%get3A_302] {strides = array<i32>} : memref<32768xf32, #tpu.memory_space<vmem>>, vector<16xf32>,
      %get3A_304 = vector.shape_cast %get3A_303 : vector<16xf32> to vector<16xf32>
      %min3A_305 = arith.minimumf %get3A_304, %broadcast_in_dim3A_41 : vector<16xf32>
      %max3A_306 = arith.maximumf %min3A_305, %broadcast_in_dim3A : vector<16xf32>
      %swap3A_307 = arith.index_cast %add3A_301 : i32 to index
      %swap3A_308 = tpu.vector_load %arg5[%swap3A_307] {strides = array<i32>} : memref<32768xf32, #tpu.memory_space<vmem>>, vector<16xf32>,
      %swap3A_309 = vector.shape_cast %swap3A_308 : vector<16xf32> to vector<16xf32>
      %swap3A_310 = vector.shape_cast %max3A_306 : vector<16xf32> to vector<16xf32>
      tpu.vector_store %arg5[%swap3A_307], %swap3A_310 {strides = array<i32>} : memref<32768xf32, #tpu.memory_space<vmem>>, vector<16xf32>,
      %add3A_311 = arith.constant 240 : i32
      %add3A_312 = arith.addi %add3A_148, %add3A_311 : i32
      %get3A_313 = arith.index_cast %add3A_312 : i32 to index
      %get3A_314 = tpu.vector_load %arg5[%get3A_313] {strides = array<i32>} : memref<32768xf32, #tpu.memory_space<vmem>>, vector<16xf32>,
      %get3A_315 = vector.shape_cast %get3A_314 : vector<16xf32> to vector<16xf32>
      %min3A_316 = arith.minimumf %get3A_315, %broadcast_in_dim3A_41 : vector<16xf32>
      %max3A_317 = arith.maximumf %min3A_316, %broadcast_in_dim3A : vector<16xf32>
      %swap3A_318 = arith.index_cast %add3A_312 : i32 to index
      %swap3A_319 = tpu.vector_load %arg5[%swap3A_318] {strides = array<i32>} : memref<32768xf32, #tpu.memory_space<vmem>>, vector<16xf32>,
      %swap3A_320 = vector.shape_cast %swap3A_319 : vector<16xf32> to vector<16xf32>
      %swap3A_321 = vector.shape_cast %max3A_317 : vector<16xf32> to vector<16xf32>
      tpu.vector_store %arg5[%swap3A_318], %swap3A_321 {strides = array<i32>} : memref<32768xf32, #tpu.memory_space<vmem>>, vector<16xf32>,
    }
    %scan3A_111 = arith.constant 32 : i32
    %add3A_112 = arith.constant 24576 : i32
    %add3A_113 = arith.addi %mul3A_2, %add3A_112 : i32
    %dma_start3A_114 = arith.constant 24576 : i32
    %dma_start3A_115 = tpu.memref_slice %arg5[%dma_start3A_114] : memref<32768xf32, #tpu.memory_space<vmem>> -> memref<8192xf32, #tpu.memory_space<vmem>>
    %dma_start3A_116 = tpu.memref_slice %arg4[%add3A_113] : memref<524288xf32, #tpu.memory_space<hbm>> -> memref<8192xf32, #tpu.memory_space<hbm>>
    %dma_start3A_117 = tpu.memref_slice %arg4[%add3A_113] : memref<524288xf32, #tpu.memory_space<hbm>> -> memref<8192xf32, #tpu.memory_space<hbm>>
    %dma_start3A_118 = arith.constant 24576 : i32
    %dma_start3A_119 = tpu.memref_slice %arg5[%dma_start3A_118] : memref<32768xf32, #tpu.memory_space<vmem>> -> memref<8192xf32, #tpu.memory_space<vmem>>
    tpu.enqueue_dma source(%dma_start3A_119 : memref<8192xf32, #tpu.memory_space<vmem>>) target(%dma_start3A_117 : memref<8192xf32, #tpu.memory_space<hbm>>) target_semaphore(%arg12 : memref<!tpu.dma_semaphore, #tpu.memory_space<semaphore_mem>>)
    %dma_wait3A_120 = arith.constant 0 : i32
    %dma_wait3A_121 = tpu.memref_slice %arg5[%dma_wait3A_120] : memref<32768xf32, #tpu.memory_space<vmem>> -> memref<8192xf32, #tpu.memory_space<vmem>>
    %dma_wait3A_122 = tpu.memref_slice %arg4[%add3A_53] : memref<524288xf32, #tpu.memory_space<hbm>> -> memref<8192xf32, #tpu.memory_space<hbm>>
    %dma_wait3A_123 = tpu.memref_slice %arg4[%add3A_53] : memref<524288xf32, #tpu.memory_space<hbm>> -> memref<8192xf32, #tpu.memory_space<hbm>>
    %dma_wait3A_124 = arith.constant 0 : i32
    %dma_wait3A_125 = tpu.memref_slice %arg5[%dma_wait3A_124] : memref<32768xf32, #tpu.memory_space<vmem>> -> memref<8192xf32, #tpu.memory_space<vmem>>
    tpu.wait_dma2 semaphore(%arg12 : memref<!tpu.dma_semaphore, #tpu.memory_space<semaphore_mem>>) src(%dma_wait3A_125 : memref<8192xf32, #tpu.memory_space<vmem>>) dst(%dma_wait3A_123 : memref<8192xf32, #tpu.memory_space<hbm>>)
    %dma_wait3A_126 = arith.constant 8192 : i32
    %dma_wait3A_127 = tpu.memref_slice %arg5[%dma_wait3A_126] : memref<32768xf32, #tpu.memory_space<vmem>> -> memref<8192xf32, #tpu.memory_space<vmem>>
    %dma_wait3A_128 = tpu.memref_slice %arg4[%add3A_73] : memref<524288xf32, #tpu.memory_space<hbm>> -> memref<8192xf32, #tpu.memory_space<hbm>>
    %dma_wait3A_129 = tpu.memref_slice %arg4[%add3A_73] : memref<524288xf32, #tpu.memory_space<hbm>> -> memref<8192xf32, #tpu.memory_space<hbm>>
    %dma_wait3A_130 = arith.constant 8192 : i32
    %dma_wait3A_131 = tpu.memref_slice %arg5[%dma_wait3A_130] : memref<32768xf32, #tpu.memory_space<vmem>> -> memref<8192xf32, #tpu.memory_space<vmem>>
    tpu.wait_dma2 semaphore(%arg12 : memref<!tpu.dma_semaphore, #tpu.memory_space<semaphore_mem>>) src(%dma_wait3A_131 : memref<8192xf32, #tpu.memory_space<vmem>>) dst(%dma_wait3A_129 : memref<8192xf32, #tpu.memory_space<hbm>>)
    %dma_wait3A_132 = arith.constant 16384 : i32
    %dma_wait3A_133 = tpu.memref_slice %arg5[%dma_wait3A_132] : memref<32768xf32, #tpu.memory_space<vmem>> -> memref<8192xf32, #tpu.memory_space<vmem>>
    %dma_wait3A_134 = tpu.memref_slice %arg4[%add3A_93] : memref<524288xf32, #tpu.memory_space<hbm>> -> memref<8192xf32, #tpu.memory_space<hbm>>
    %dma_wait3A_135 = tpu.memref_slice %arg4[%add3A_93] : memref<524288xf32, #tpu.memory_space<hbm>> -> memref<8192xf32, #tpu.memory_space<hbm>>
    %dma_wait3A_136 = arith.constant 16384 : i32
    %dma_wait3A_137 = tpu.memref_slice %arg5[%dma_wait3A_136] : memref<32768xf32, #tpu.memory_space<vmem>> -> memref<8192xf32, #tpu.memory_space<vmem>>
    tpu.wait_dma2 semaphore(%arg12 : memref<!tpu.dma_semaphore, #tpu.memory_space<semaphore_mem>>) src(%dma_wait3A_137 : memref<8192xf32, #tpu.memory_space<vmem>>) dst(%dma_wait3A_135 : memref<8192xf32, #tpu.memory_space<hbm>>)
    %dma_wait3A_138 = arith.constant 24576 : i32
    %dma_wait3A_139 = tpu.memref_slice %arg5[%dma_wait3A_138] : memref<32768xf32, #tpu.memory_space<vmem>> -> memref<8192xf32, #tpu.memory_space<vmem>>
    %dma_wait3A_140 = tpu.memref_slice %arg4[%add3A_113] : memref<524288xf32, #tpu.memory_space<hbm>> -> memref<8192xf32, #tpu.memory_space<hbm>>
    %dma_wait3A_141 = tpu.memref_slice %arg4[%add3A_113] : memref<524288xf32, #tpu.memory_space<hbm>> -> memref<8192xf32, #tpu.memory_space<hbm>>
    %dma_wait3A_142 = arith.constant 24576 : i32
    %dma_wait3A_143 = tpu.memref_slice %arg5[%dma_wait3A_142] : memref<32768xf32, #tpu.memory_space<vmem>> -> memref<8192xf32, #tpu.memory_space<vmem>>
    tpu.wait_dma2 semaphore(%arg12 : memref<!tpu.dma_semaphore, #tpu.memory_space<semaphore_mem>>) src(%dma_wait3A_143 : memref<8192xf32, #tpu.memory_space<vmem>>) dst(%dma_wait3A_141 : memref<8192xf32, #tpu.memory_space<hbm>>)
    return
  }
}

</mosaic_0001>

<sc_bundles>
// kernel: kernel.3.cloned.1.call-start
scs
__scs_entry_jumppad:
0x0: {  	(pc) =	sbr.rel $0x88, $3  }
0x1: {  	(tag) =	ssettag $0x0;
	lr =	simm.s32 $0x1  }
0x2: {  	[smem:$0x3F9F] =	sst lr;
	_ =	strace $0xD0000000  }
0x3: {  	_ = 	snop  }
0x4: {  	_ = 	snop  }
0x5: {  	_ = 	snop  }
0x6: {  	_ = 	snop  }
0x7: {  	_ = 	snop  }
__scs_overlays_trampoline_lowered:
0x8: {  	[smem:$0x3FAE] =	sst s0  }
0x9: {  	[smem:$0x3FAF] =	sst s1  }
0xa: {  	[smem:$0x3FB0] =	sst s2  }
0xb: {  	[smem:$0x3FB1] =	sst s3  }
0xc: {  	[smem:$0x3FB2] =	sst s4  }
0xd: {  	[smem:$0x3FB3] =	sst s5  }
0xe: {  	[smem:$0x3FB4] =	sst s6  }
0xf: {  	[smem:$0x3FB5] =	sst s7  }
0x10: {  	[smem:$0x3FB6] =	sst s8  }
0x11: {  	[smem:$0x3FB7] =	sst s9;
	s0 =	simm.s32 @!p0 $0x0  }
0x12: {  	s1 =	sld [smem:$0x3F9D];
	s0 =	simm.s32 @p0 $0x1  }
0x13: {  	[smem:$0x3FB8] =	sst s0;
	s0 =	simm.s32 @!p1 $0x0  }
0x14: {  	s2 =	sld [smem:$0x3F9C];
	s0 =	simm.s32 @p1 $0x1  }
0x15: {  	[smem:$0x3FB9] =	sst s0;
	s0 =	simm.s32 @!p2 $0x0  }
0x16: {  	s3 =	sld [smem:$0x3FDB];
	s0 =	simm.s32 @p2 $0x1  }
0x17: {  	s4 =	simm.s32 $0x1BF5;
	[smem:$0x3FBB] =	sst s0  }
0x18: {  	s0 =	sld [smem:$0x3F9E];
	_ =	swait.ge [sflag:s4], $0x0  }
0x19: {  	s7 =	sld [smem:$0x3F9F]  }
0x1a: {  	s8 =	sadd.s32 $0xFFFFE003, lr  }
0x1b: {  	s9 =	sadd.s32 $0xFFFFFEF7, lr;
	s5 =	simm.s32 $0xFFFFFFFF;
	p2 =	slt.u32 s8, $0xFFFFF086  }
0x1c: {  	p1 =	slt.u32 s9, $0xF7A;
	s5 =	simm.s32 @!p2 $0x0  }
0x1d: {  	s5 =	simm.s32 @p1 $0x1;
	p0 =	seq.s32 s7, s2  }
0x1e: {  	s7 =	smul.u32 @!p0 $0xF7A, s2;
	p2 =	seq.s32 @!p0 s5, $0x0  }
0x1f: {  	s9 =	smul.u32 $0xF7A, s1;
	s8 =	simm.s32 @!p0 $0x1BF5;
	p2 =	por !p2, p0  }
0x20: {  	[sflag:s8] =	ssyncset.s32 @!p0 $0xFFFFF086;
	s6 =	sadd.s32 @!p0 s3, s7;
	s7 =	simm.s32 @!p0 $0x108  }
0x21: {  	s3 =	sadd.s32 s3, s9;
	s6 =	sadd.s32 @!p0 $0x88, s6;
	s7 =	simm.s32 @p2 $0x1082  }
0x22: {  	[simem:s7], [sflag:s8] =	dma.local @!p0 [hbm:s6], $0xF7A  }
0x23: {  	s9 =	sor.u32 $0xD0000000, s2;
	s6 =	simm.s32 $0x108;
	_ =	swait.ge @!p0 [sflag:s8], $0x0  }
0x24: {  	s3 =	sadd.s32 $0x88, s3;
	s6 =	simm.s32 @!p1 $0x1082;
	[sflag:s4] =	ssyncset.s32 $0xFFFFF086  }
0x25: {  	[simem:s6], [sflag:s4] =	dma.local [hbm:s3], $0xF7A  }
0x26: {  	[smem:$0x3F9F] =	sst s1;
	(tag) =	ssettag s2;
	_ =	strace s9  }
0x27: {  	s1 =	sld [smem:$0x3FAF]  }
0x28: {  	s2 =	sld [smem:$0x3FB0]  }
0x29: {  	s4 =	sld [smem:$0x3FB2]  }
0x2a: {  	p0 =	seq.s32 s5, $0x0;
	s5 =	sld [smem:$0x3FB3]  }
0x2b: {  	s6 =	sld [smem:$0x3FB4]  }
0x2c: {  	s7 =	sld [smem:$0x3FB5]  }
0x2d: {  	s3 =	simm.s32 $0x108;
	s8 =	sld [smem:$0x3FB6]  }
0x2e: {  	s3 =	simm.s32 @!p0 $0x1082;
	s9 =	sld [smem:$0x3FB7]  }
0x2f: {  	lr =	sadd.s32 s0, s3;
	s0 =	sld [smem:$0x3FAE]  }
0x30: {  	s3 =	sld [smem:$0x3FB1]  }
0x31: {  	[smem:$0x3FBA] =	sst s10  }
0x32: {  	s10 =	sld [smem:$0x3FB8];
	_ =	sdelay $0x3  }
0x33: {  	p0 =	seq.s32 s10, $0x1;
	s10 =	sld [smem:$0x3FBA];
	_ =	sdelay $0x3  }
0x34: {  	[smem:$0x3FBA] =	sst s10  }
0x35: {  	s10 =	sld [smem:$0x3FB9];
	_ =	sdelay $0x3  }
0x36: {  	p1 =	seq.s32 s10, $0x1;
	s10 =	sld [smem:$0x3FBA];
	_ =	sdelay $0x3  }
0x37: {  	[smem:$0x3FBA] =	sst s10  }
0x38: {  	s10 =	sld [smem:$0x3FBB]  }
0x39: {  	_ = 	snop;
	(pc) =	sbr.ind lr, $3  }
0x3a: {  	_ = 	snop  }
0x3b: {  	_ = 	snop  }
0x3c: {  	p2 =	seq.s32 s10, $0x1;
	s10 =	sld [smem:$0x3FBA]  }
0x3d: {  	_ =	shalt  }
0x3e: {  	_ =	shalt  }
0x3f: {  	_ =	shalt  }
0x40: {  	_ =	shalt  }
0x41: {  	_ =	shalt  }
0x42: {  	_ =	shalt  }
0x43: {  	_ =	shalt  }
0x44: {  	_ =	shalt  }
0x45: {  	_ =	shalt  }
0x46: {  	_ =	shalt  }
0x47: {  	_ =	shalt  }
0x48: {  	_ =	shalt  }
0x49: {  	_ =	shalt  }
0x4a: {  	_ =	shalt  }
0x4b: {  	_ =	shalt  }
0x4c: {  	_ =	shalt  }
0x4d: {  	_ =	shalt  }
0x4e: {  	_ =	shalt  }
0x4f: {  	_ =	shalt  }
0x50: {  	_ =	shalt  }
0x51: {  	_ =	shalt  }
0x52: {  	_ =	shalt  }
0x53: {  	_ =	shalt  }
0x54: {  	_ =	shalt  }
0x55: {  	_ =	shalt  }
0x56: {  	_ =	shalt  }
0x57: {  	_ =	shalt  }
0x58: {  	_ =	shalt  }
0x59: {  	_ =	shalt  }
0x5a: {  	_ =	shalt  }
0x5b: {  	_ =	shalt  }
0x5c: {  	_ =	shalt  }
0x5d: {  	_ =	shalt  }
0x5e: {  	_ =	shalt  }
0x5f: {  	_ =	shalt  }
0x60: {  	_ =	shalt  }
0x61: {  	_ =	shalt  }
0x62: {  	_ =	shalt  }
0x63: {  	_ =	shalt  }
0x64: {  	_ =	shalt  }
0x65: {  	_ =	shalt  }
0x66: {  	_ =	shalt  }
0x67: {  	_ =	shalt  }
0x68: {  	_ =	shalt  }
0x69: {  	_ =	shalt  }
0x6a: {  	_ =	shalt  }
0x6b: {  	_ =	shalt  }
0x6c: {  	_ =	shalt  }
0x6d: {  	_ =	shalt  }
0x6e: {  	_ =	shalt  }
0x6f: {  	_ =	shalt  }
0x70: {  	_ =	shalt  }
0x71: {  	_ =	shalt  }
0x72: {  	_ =	shalt  }
0x73: {  	_ =	shalt  }
0x74: {  	_ =	shalt  }
0x75: {  	_ =	shalt  }
0x76: {  	_ =	shalt  }
0x77: {  	_ =	shalt  }
0x78: {  	_ =	shalt  }
0x79: {  	_ =	shalt  }
0x7a: {  	_ =	shalt  }
0x7b: {  	_ =	shalt  }
0x7c: {  	_ =	shalt  }
0x7d: {  	_ =	shalt  }
0x7e: {  	_ =	shalt  }
0x7f: {  	_ =	shalt  }
0x80: {  	_ =	shalt  }
0x81: {  	_ =	shalt  }
0x82: {  	_ =	shalt  }
0x83: {  	_ =	shalt  }
0x84: {  	_ =	shalt  }
0x85: {  	_ =	shalt  }
0x86: {  	_ =	shalt  }
0x87: {  	_ =	shalt  }
.Lfunc_end0:
.L_simem_size_0:
called_computation_lowered:
.L_overlay_start_0:
0x88: {  	s0 =	sld [smem:$0x3FD9]  }
0x89: {  	s1 =	sld [smem:$0x3FFE];
	_ =	sdelay $0x3  }
0x8a: {  	s0 =	sadd.s32 s1, s0  }
0x8b: {  	[smem:$0x3FC6] =	sst s0  }
0x8c: {  	_ = 	snop  }
0x8d: {  	s0 =	sld [smem:$0x3FC9]  }
0x8e: {  	s17 =	sld [smem:$0x3FC8]  }
0x8f: {  	s2 =	sld [smem:$0x3FD0];
	(tm) =	ssettm $0x1  }
0x90: {  	s3 =	sld [smem:$0x3FFB];
	_ =	sdelay $0x3  }
0x91: {  	_ =	strace s3  }
0x92: {  	s3 =	sld [smem:$0x3FFC];
	_ =	sdelay $0x3  }
0x93: {  	_ =	strace s3  }
0x94: {  	s3 =	sld [smem:$0x3FFD];
	_ =	sdelay $0x3  }
0x95: {  	_ =	strace s3  }
0x96: {  	_ =	strace $0x8FFFFFFF  }
0x97: {  	s18 =	sld [smem:$0x3FDB];
	_ =	sdelay $0x1  }
0x98: {  	s4 =	simm.s32 $_scs_section_size  }
0x99: {  	s5 =	simm.s32 $_size__tile_overlayer_lowered;
	s6 =	simm.s32 $_tile_overlayer_lowered  }
0x9a: {  	s21 =	simm.s32 $0x1BFF;
	s20 =	sshll.u32 s6, $0x1;
	s3 =	sadd.s32 s4, s18  }
0x9b: {  	s7 =	simm.s32 $0x0;
	s19 =	sshll.u32 s5, $0x1;
	s5 =	sadd.s32 s20, s3  }
0x9c: {  	[timem:s7], [sflag:s21] =	dma.local [hbm:s5], s19  }
0x9d: {  	_ =	swait.ge [sflag:s21], s19  }
0x9e: {  	s4 =	ssub.s32 $0x0, s19;
	[sflag:s21] =	ssyncset.done $0x0  }
0x9f: {  	[sflag:s21] =	ssyncadd.s32 s4;
	_ =	sdelay $0x1  }
0xa0: {  	s22 =	simm.s32 $0x1B8B  }
0xa1: {  	_ =	swait.ge [sflag:s22], $0x1  }
0xa2: {  	[sflag:s22] =	ssyncset.done $0x0  }
0xa3: {  	s23 =	simm.s32 $0x1B8E;
	[sflag:s22] =	ssyncadd.s32 $0xFFFFFFFF  }
0xa4: {  	s24 =	simm.s32 $execute0_lowered;
	[smem:$0x3FD2] =	sst s23  }
0xa5: {  	s4 =	sshll.u32 s24, $0x1;
	_ =	strace $0x80000046;
	[dreg:$0x1] =	wrdreg $0xFFFFFFFF  }
0xa6: {  	s25 =	simm.s32 $_size_execute0_lowered;
	s3 =	sadd.s32 s3, s4;
	[dreg:$0x0] =	wrdreg $0x0  }
0xa7: {  	s4 =	sshll.u32 s25, $0x1;
	[dreg:$0x2] =	wrdreg s3  }
0xa8: {  	[dreg:$0x3] =	wrdreg s4  }
0xa9: {  	[dreg:$0x4] =	wrdreg $0xC0  }
0xaa: {  	_ =	task [dreg:s7], $0x5FFFF  }
0xab: {  	[dreg:$0x1] =	wrdreg $0xFFFFFFFF  }
0xac: {  	[dreg:$0x0] =	wrdreg $0x60  }
0xad: {  	[dreg:$0x2] =	wrdreg s0  }
0xae: {  	[dreg:$0x3] =	wrdreg s17  }
0xaf: {  	[dreg:$0x4] =	wrdreg s2  }
0xb0: {  	[dreg:$0x5] =	wrdreg $0x9  }
0xb1: {  	_ =	task.clear_ibuf [dreg:s7], $0x6FFFF;
	_ =	strace $0x90000046  }
0xb2: {  	s26 =	simm.s32 $0x9;
	_ =	strace $0x80000048  }
0xb3: {  	_ =	swait.ge [sflag:s26], $0x1  }
0xb4: {  	[sflag:s26] =	ssyncadd.s32 $0xFFFFFFFF  }
0xb5: {  	_ =	strace $0x90000048  }
0xb6: {  	_ =	sfence  }
0xb7: {  	s28 =	sld [smem:$0x0];
	_ =	sdelay $0x1  }
0xb8: {  	s29 =	srdreg.scid  }
0xb9: {  	s30 =	sshll.u32 s29, $0xD;
	s31 =	sshrl.u32 s29, $0x2  }
0xba: {  	s1 =	sand.u32 $0x1, s29;
	s2 =	sand.u32 $0x4000, s30;
	s0 =	sadd.s32 s31, s28  }
0xbb: {  	s1 =	sor.u32 s2, s1;
	s0 =	sshll.u32 s0, $0x11  }
0xbc: {  	s0 =	sor.u32 s0, s1  }
0xbd: {  	s0 =	sadd.s32 $0x8F2B, s0  }
0xbe: {  	[sflag:s0] =	ssyncadd.remote.s32 $0x1  }
0xbf: {  	_ =	sfence.sel $0xFFFF  }
0xc0: {  	[dreg:$0x0] =	wrdreg $0xFFFFFFFF;
	(pc) =	sbr.abs _section_cstart, $3  }
0xc1: {  	[dreg:$0x1] =	wrdreg $0xFFFFFFFF  }
0xc2: {  	_ =	task.clear_ibuf [dreg:s7], $0x2FFFF;
	_ =	strace $0x9FFFFFFF  }
0xc3: {  	(tm) =	ssettm $0x7FFFFFFF  }
tec
execute0_lowered:
.L_overlay_start_1:
0x0: {  	(tag) =	ssettag $0x1  }
0x1: {  	s7 =	rddreg [dreg:$0x0]  }
0x2: {  	s3 =	rddreg [dreg:$0x1]  }
0x3: {  	s2 =	rddreg [dreg:$0x2]  }
0x4: {  	s0 =	rddreg [dreg:$0x3];
	s8 =	simm.s32 $0x0  }
0x5: {  	s1 =	stileid.u32;
	[smem:$0x7FF] =	sst s8  }
0x6: {  	s4 =	simm.s32 $0x8000;
	s6 =	sshll.u32 s1, $0xC;
	_ =	strace $0x80000047  }
0x7: {  	[tilespmem:s4], [sflag:$0x5] =	stream.linear.gather [hbm4b:s3+s8], $0x80, $0x38;
	[tilespmem:$0x8080] =	vst v63  }
0x8: {  	s25 =	sadd.s32 s7, s6;
	s5 =	sor.u32 $0x400, s6  }
0x9: {  	[tilespmem:s8], [sflag:$0x1] =	stream.linear.gather [hbm4b:s25+s8], $0x2000, $0x38;
	[tilespmem:$0x8080] =	vst v63  }
0xa: {  	s9 =	simm.s32 $0x2000;
	s26 =	sadd.s32 s7, s5;
	s4 =	sor.u32 $0x800, s6  }
0xb: {  	[tilespmem:s9], [sflag:$0x2] =	stream.linear.gather [hbm4b:s26+s8], $0x2000, $0x38;
	[tilespmem:$0x8080] =	vst v63  }
0xc: {  	s10 =	simm.s32 $0x4000;
	s3 =	sor.u32 $0xC00, s6;
	s28 =	sadd.s32 s7, s4  }
0xd: {  	[tilespmem:s10], [sflag:$0x3] =	stream.linear.gather [hbm4b:s28+s8], $0x2000, $0x38;
	[tilespmem:$0x8080] =	vst v63  }
0xe: {  	s29 =	simm.s32 $0x6000;
	s30 =	simm.s32 $0x5;
	s7 =	sadd.s32 s7, s3  }
0xf: {  	[tilespmem:s29], [sflag:$0x4] =	stream.linear.gather [hbm4b:s7+s8], $0x2000, $0x38;
	[tilespmem:$0x8080] =	vst v63  }
0x10: {  	_ =	swait.ge [sflag:s30], $0x80  }
0x11: {  	[sflag:s30] =	ssyncset.done $0x0  }
0x12: {  	[sflag:s30] =	ssyncadd.s32 $0xFFFFFF80  }
0x13: {  	s31 =	simm.s32 $0x1;
	v0 =	vld.msk [tilespmem:$0x8000 ss:$0x0], $0xffff  }
0x14: {  	v1 =	vld [tilespmem:$0x8030];
	_ =	swait.ge [sflag:s31], $0x2000  }
0x15: {  	[sflag:s31] =	ssyncset.done $0x0  }
0x16: {  	s7 =	simm.s32 $0x0;
	[sflag:s31] =	ssyncadd.s32 $0xFFFFE000  }
0x17: {  	v2 =	vld [tilespmem:s7+$0x0]  }
0x18: {  	v3 =	vld [tilespmem:s7+$0x10]  }
0x19: {  	v4 =	vld [tilespmem:s7+$0x20]  }
0x1a: {  	v5 =	vld [tilespmem:s7+$0x30];
	v1 =	vbroadcast v1, $0xF  }
0x1b: {  	v6 =	vld [tilespmem:s7+$0x40]  }
0x1c: {  	v7 =	vld [tilespmem:s7+$0x50];
	v2 =	vmin.f32 v2, v1  }
0x1d: {  	v8 =	vld [tilespmem:s7+$0x60];
	v3 =	vmin.f32 v3, v1;
	v2 =	vmax.f32 v2, v0  }
0x1e: {  	v9 =	vld [tilespmem:s7+$0x70];
	[tilespmem:s7+$0x0] =	vst v2;
	v2 =	vmax.f32 v3, v0;
	v3 =	vmin.f32 v4, v1  }
0x1f: {  	v10 =	vld [tilespmem:s7+$0x80];
	[tilespmem:s7+$0x10] =	vst v2;
	v2 =	vmax.f32 v3, v0;
	v3 =	vmin.f32 v5, v1  }
0x20: {  	v11 =	vld [tilespmem:s7+$0x90];
	[tilespmem:s7+$0x20] =	vst v2;
	v2 =	vmax.f32 v3, v0;
	v3 =	vmin.f32 v6, v1  }
0x21: {  	v4 =	vmin.f32 v7, v1;
	[tilespmem:s7+$0x30] =	vst v2;
	v2 =	vmax.f32 v3, v0;
	v3 =	vld [tilespmem:s7+$0xA0]  }
0x22: {  	v4 =	vmax.f32 v4, v0;
	v5 =	vmin.f32 v8, v1;
	[tilespmem:s7+$0x40] =	vst v2;
	v2 =	vld [tilespmem:s7+$0xB0]  }
0x23: {  	[tilespmem:s7+$0x50] =	vst v4;
	v5 =	vmax.f32 v5, v0;
	v4 =	vld [tilespmem:s7+$0xC0];
	v6 =	vmin.f32 v9, v1  }
0x24: {  	v7 =	vmin.f32 v10, v1;
	[tilespmem:s7+$0x60] =	vst v5;
	v6 =	vmax.f32 v6, v0;
	v5 =	vld [tilespmem:s7+$0xD0]  }
0x25: {  	s8 =	simm.s32 $0x400;
	v7 =	vmax.f32 v7, v0;
	v8 =	vmin.f32 v11, v1;
	[tilespmem:s7+$0x70] =	vst v6;
	v6 =	vld [tilespmem:s7+$0xE0]  }
.LBB2_1:
0x26: {  	s9 =	sshra.s32 s8, $0x2;
	p0 =	sne.s32 s8, $0x7C00;
	[tilespmem:s7+$0x80] =	vst v7;
	v7 =	vmax.f32 v8, v0;
	v3 =	vmin.f32 v3, v1;
	v8 =	vld [tilespmem:s7+$0xF0]  }
0x27: {  	v9 =	vld [tilespmem:s9+$0x0];
	[tilespmem:s7+$0x90] =	vst v7;
	v3 =	vmax.f32 v3, v0;
	v2 =	vmin.f32 v2, v1  }
0x28: {  	v7 =	vld [tilespmem:s9+$0x10];
	[tilespmem:s7+$0xA0] =	vst v3;
	v2 =	vmax.f32 v2, v0;
	v3 =	vmin.f32 v4, v1  }
0x29: {  	v4 =	vld [tilespmem:s9+$0x20];
	[tilespmem:s7+$0xB0] =	vst v2;
	v2 =	vmax.f32 v3, v0;
	v3 =	vmin.f32 v5, v1  }
0x2a: {  	v5 =	vld [tilespmem:s9+$0x30];
	[tilespmem:s7+$0xC0] =	vst v2;
	v2 =	vmax.f32 v3, v0;
	v3 =	vmin.f32 v6, v1  }
0x2b: {  	v6 =	vld [tilespmem:s9+$0x40];
	[tilespmem:s7+$0xD0] =	vst v2;
	v2 =	vmax.f32 v3, v0;
	v3 =	vmin.f32 v8, v1  }
0x2c: {  	v8 =	vmin.f32 v9, v1;
	v9 =	vld [tilespmem:s9+$0x50];
	[tilespmem:s7+$0xE0] =	vst v2;
	v2 =	vmax.f32 v3, v0  }
0x2d: {  	v3 =	vmax.f32 v8, v0;
	v7 =	vmin.f32 v7, v1;
	v8 =	vld [tilespmem:s9+$0x60];
	[tilespmem:s7+$0xF0] =	vst v2;
	s7 =	smov.u32 s9  }
0x2e: {  	[tilespmem:s7+$0x0] =	vst v3;
	v2 =	vmax.f32 v7, v0;
	v3 =	vmin.f32 v4, v1;
	v4 =	vld [tilespmem:s7+$0x70]  }
0x2f: {  	[tilespmem:s7+$0x10] =	vst v2;
	v2 =	vmax.f32 v3, v0;
	v3 =	vmin.f32 v5, v1;
	v5 =	vld [tilespmem:s7+$0x80]  }
0x30: {  	[tilespmem:s7+$0x20] =	vst v2;
	v2 =	vmax.f32 v3, v0;
	v3 =	vmin.f32 v6, v1;
	v6 =	vld [tilespmem:s7+$0x90]  }
.Ltmp0:
0x31: {  	[tilespmem:s7+$0x30] =	vst v2;
	v2 =	vmax.f32 v3, v0;
	v7 =	vmin.f32 v9, v1;
	v3 =	vld [tilespmem:s7+$0xA0];
	(pc) =	sbr.rel @p0 .LBB2_1-.Ltmp0, $4  }
0x32: {  	[tilespmem:s7+$0x40] =	vst v2;
	v7 =	vmax.f32 v7, v0;
	v8 =	vmin.f32 v8, v1;
	v2 =	vld [tilespmem:s7+$0xB0]  }
0x33: {  	[tilespmem:s7+$0x50] =	vst v7;
	v7 =	vmax.f32 v8, v0;
	v8 =	vmin.f32 v4, v1;
	v4 =	vld [tilespmem:s7+$0xC0]  }
0x34: {  	[tilespmem:s7+$0x60] =	vst v7;
	v7 =	vmax.f32 v8, v0;
	v8 =	vmin.f32 v5, v1;
	v5 =	vld [tilespmem:s7+$0xD0]  }
0x35: {  	s8 =	sadd.s32 $0x400, s8;
	[tilespmem:s7+$0x70] =	vst v7;
	v7 =	vmax.f32 v8, v0;
	v8 =	vmin.f32 v6, v1;
	v6 =	vld [tilespmem:s7+$0xE0]  }
0x36: {  	[tilespmem:s7+$0x80] =	vst v7;
	v7 =	vmax.f32 v8, v0;
	v3 =	vmin.f32 v3, v1;
	v8 =	vld [tilespmem:s7+$0xF0]  }
0x37: {  	[tilespmem:s7+$0x90] =	vst v7;
	v3 =	vmax.f32 v3, v0;
	v2 =	vmin.f32 v2, v1  }
0x38: {  	[tilespmem:s7+$0xA0] =	vst v3;
	v2 =	vmax.f32 v2, v0;
	v3 =	vmin.f32 v4, v1  }
0x39: {  	[tilespmem:s7+$0xB0] =	vst v2;
	v2 =	vmax.f32 v3, v0;
	v3 =	vmin.f32 v5, v1  }
0x3a: {  	[tilespmem:s7+$0xC0] =	vst v2;
	v2 =	vmax.f32 v3, v0;
	v3 =	vmin.f32 v6, v1  }
0x3b: {  	[tilespmem:s7+$0xD0] =	vst v2;
	v2 =	vmax.f32 v3, v0;
	v3 =	vmin.f32 v8, v1  }
0x3c: {  	[tilespmem:s7+$0xE0] =	vst v2;
	v2 =	vmax.f32 v3, v0  }
0x3d: {  	s6 =	sadd.s32 s2, s6;
	s30 =	simm.s32 $0x0;
	s31 =	simm.s32 $0x2;
	[tilespmem:s7+$0xF0] =	vst v2  }
0x3e: {  	[hbm4b:s6+s30] =	stream.linear.scatter [tilespmem:s30], [sflag:$0x6], $0x2000, $0x38;
	[tilespmem:$0x8080] =	vst v63  }
0x3f: {  	_ =	swait.ge [sflag:s31], $0x2000  }
0x40: {  	[sflag:s31] =	ssyncset.done $0x0  }
0x41: {  	s6 =	simm.s32 $0x0;
	[sflag:s31] =	ssyncadd.s32 $0xFFFFE000  }
0x42: {  	v2 =	vld [tilespmem:s6+$0x2000]  }
0x43: {  	v3 =	vld [tilespmem:s6+$0x2010]  }
0x44: {  	v4 =	vld [tilespmem:s6+$0x2020]  }
0x45: {  	v5 =	vld [tilespmem:s6+$0x2030]  }
0x46: {  	v6 =	vld [tilespmem:s6+$0x2040]  }
0x47: {  	v7 =	vld [tilespmem:s6+$0x2050];
	v2 =	vmin.f32 v2, v1  }
0x48: {  	v8 =	vld [tilespmem:s6+$0x2060];
	v3 =	vmin.f32 v3, v1;
	v2 =	vmax.f32 v2, v0  }
0x49: {  	v9 =	vld [tilespmem:s6+$0x2070];
	[tilespmem:s6+$0x2000] =	vst v2;
	v2 =	vmax.f32 v3, v0;
	v3 =	vmin.f32 v4, v1  }
0x4a: {  	v10 =	vld [tilespmem:s6+$0x2080];
	[tilespmem:s6+$0x2010] =	vst v2;
	v2 =	vmax.f32 v3, v0;
	v3 =	vmin.f32 v5, v1  }
0x4b: {  	v11 =	vld [tilespmem:s6+$0x2090];
	[tilespmem:s6+$0x2020] =	vst v2;
	v2 =	vmax.f32 v3, v0;
	v3 =	vmin.f32 v6, v1  }
0x4c: {  	v4 =	vmin.f32 v7, v1;
	[tilespmem:s6+$0x2030] =	vst v2;
	v2 =	vmax.f32 v3, v0;
	v3 =	vld [tilespmem:s6+$0x20A0]  }
0x4d: {  	v4 =	vmax.f32 v4, v0;
	v5 =	vmin.f32 v8, v1;
	[tilespmem:s6+$0x2040] =	vst v2;
	v2 =	vld [tilespmem:s6+$0x20B0]  }
0x4e: {  	[tilespmem:s6+$0x2050] =	vst v4;
	v5 =	vmax.f32 v5, v0;
	v4 =	vld [tilespmem:s6+$0x20C0];
	v6 =	vmin.f32 v9, v1  }
0x4f: {  	v7 =	vmin.f32 v10, v1;
	[tilespmem:s6+$0x2060] =	vst v5;
	v6 =	vmax.f32 v6, v0;
	v5 =	vld [tilespmem:s6+$0x20D0]  }
0x50: {  	s7 =	simm.s32 $0x400;
	v7 =	vmax.f32 v7, v0;
	v8 =	vmin.f32 v11, v1;
	[tilespmem:s6+$0x2070] =	vst v6;
	v6 =	vld [tilespmem:s6+$0x20E0]  }
.LBB2_3:
0x51: {  	s8 =	sshra.s32 s7, $0x2;
	p0 =	sne.s32 s7, $0x7C00;
	[tilespmem:s6+$0x2080] =	vst v7;
	v7 =	vmax.f32 v8, v0;
	v3 =	vmin.f32 v3, v1;
	v8 =	vld [tilespmem:s6+$0x20F0]  }
0x52: {  	v9 =	vld [tilespmem:s8+$0x2000];
	[tilespmem:s6+$0x2090] =	vst v7;
	v3 =	vmax.f32 v3, v0;
	v2 =	vmin.f32 v2, v1  }
0x53: {  	v7 =	vld [tilespmem:s8+$0x2010];
	[tilespmem:s6+$0x20A0] =	vst v3;
	v2 =	vmax.f32 v2, v0;
	v3 =	vmin.f32 v4, v1  }
0x54: {  	v4 =	vld [tilespmem:s8+$0x2020];
	[tilespmem:s6+$0x20B0] =	vst v2;
	v2 =	vmax.f32 v3, v0;
	v3 =	vmin.f32 v5, v1  }
0x55: {  	v5 =	vld [tilespmem:s8+$0x2030];
	[tilespmem:s6+$0x20C0] =	vst v2;
	v2 =	vmax.f32 v3, v0;
	v3 =	vmin.f32 v6, v1  }
0x56: {  	v6 =	vld [tilespmem:s8+$0x2040];
	[tilespmem:s6+$0x20D0] =	vst v2;
	v2 =	vmax.f32 v3, v0;
	v3 =	vmin.f32 v8, v1  }
0x57: {  	v8 =	vmin.f32 v9, v1;
	v9 =	vld [tilespmem:s8+$0x2050];
	[tilespmem:s6+$0x20E0] =	vst v2;
	v2 =	vmax.f32 v3, v0  }
0x58: {  	v3 =	vmax.f32 v8, v0;
	v7 =	vmin.f32 v7, v1;
	v8 =	vld [tilespmem:s8+$0x2060];
	[tilespmem:s6+$0x20F0] =	vst v2;
	s6 =	smov.u32 s8  }
0x59: {  	[tilespmem:s6+$0x2000] =	vst v3;
	v2 =	vmax.f32 v7, v0;
	v3 =	vmin.f32 v4, v1;
	v4 =	vld [tilespmem:s6+$0x2070]  }
0x5a: {  	[tilespmem:s6+$0x2010] =	vst v2;
	v2 =	vmax.f32 v3, v0;
	v3 =	vmin.f32 v5, v1;
	v5 =	vld [tilespmem:s6+$0x2080]  }
0x5b: {  	[tilespmem:s6+$0x2020] =	vst v2;
	v2 =	vmax.f32 v3, v0;
	v3 =	vmin.f32 v6, v1;
	v6 =	vld [tilespmem:s6+$0x2090]  }
.Ltmp1:
0x5c: {  	[tilespmem:s6+$0x2030] =	vst v2;
	v2 =	vmax.f32 v3, v0;
	v7 =	vmin.f32 v9, v1;
	v3 =	vld [tilespmem:s6+$0x20A0];
	(pc) =	sbr.rel @p0 .LBB2_3-.Ltmp1, $4  }
0x5d: {  	[tilespmem:s6+$0x2040] =	vst v2;
	v7 =	vmax.f32 v7, v0;
	v8 =	vmin.f32 v8, v1;
	v2 =	vld [tilespmem:s6+$0x20B0]  }
0x5e: {  	[tilespmem:s6+$0x2050] =	vst v7;
	v7 =	vmax.f32 v8, v0;
	v8 =	vmin.f32 v4, v1;
	v4 =	vld [tilespmem:s6+$0x20C0]  }
0x5f: {  	[tilespmem:s6+$0x2060] =	vst v7;
	v7 =	vmax.f32 v8, v0;
	v8 =	vmin.f32 v5, v1;
	v5 =	vld [tilespmem:s6+$0x20D0]  }
0x60: {  	s7 =	sadd.s32 $0x400, s7;
	[tilespmem:s6+$0x2070] =	vst v7;
	v7 =	vmax.f32 v8, v0;
	v8 =	vmin.f32 v6, v1;
	v6 =	vld [tilespmem:s6+$0x20E0]  }
0x61: {  	[tilespmem:s6+$0x2080] =	vst v7;
	v7 =	vmax.f32 v8, v0;
	v3 =	vmin.f32 v3, v1;
	v8 =	vld [tilespmem:s6+$0x20F0]  }
0x62: {  	[tilespmem:s6+$0x2090] =	vst v7;
	v3 =	vmax.f32 v3, v0;
	v2 =	vmin.f32 v2, v1  }
0x63: {  	[tilespmem:s6+$0x20A0] =	vst v3;
	v2 =	vmax.f32 v2, v0;
	v3 =	vmin.f32 v4, v1  }
0x64: {  	[tilespmem:s6+$0x20B0] =	vst v2;
	v2 =	vmax.f32 v3, v0;
	v3 =	vmin.f32 v5, v1  }
0x65: {  	[tilespmem:s6+$0x20C0] =	vst v2;
	v2 =	vmax.f32 v3, v0;
	v3 =	vmin.f32 v6, v1  }
0x66: {  	[tilespmem:s6+$0x20D0] =	vst v2;
	v2 =	vmax.f32 v3, v0;
	v3 =	vmin.f32 v8, v1  }
0x67: {  	s5 =	sadd.s32 s2, s5;
	[tilespmem:s6+$0x20E0] =	vst v2;
	v2 =	vmax.f32 v3, v0  }
0x68: {  	s30 =	simm.s32 $0x0;
	s7 =	simm.s32 $0x2000;
	s31 =	simm.s32 $0x3;
	[tilespmem:s6+$0x20F0] =	vst v2  }
0x69: {  	[hbm4b:s5+s30] =	stream.linear.scatter [tilespmem:s7], [sflag:$0x6], $0x2000, $0x38;
	[tilespmem:$0x8080] =	vst v63  }
0x6a: {  	_ =	swait.ge [sflag:s31], $0x2000  }
0x6b: {  	[sflag:s31] =	ssyncset.done $0x0  }
0x6c: {  	s5 =	simm.s32 $0x0;
	[sflag:s31] =	ssyncadd.s32 $0xFFFFE000  }
0x6d: {  	v2 =	vld [tilespmem:s5+$0x4000]  }
0x6e: {  	v3 =	vld [tilespmem:s5+$0x4010]  }
0x6f: {  	v4 =	vld [tilespmem:s5+$0x4020]  }
0x70: {  	v5 =	vld [tilespmem:s5+$0x4030]  }
0x71: {  	v6 =	vld [tilespmem:s5+$0x4040]  }
0x72: {  	v7 =	vld [tilespmem:s5+$0x4050];
	v2 =	vmin.f32 v2, v1  }
0x73: {  	v8 =	vld [tilespmem:s5+$0x4060];
	v3 =	vmin.f32 v3, v1;
	v2 =	vmax.f32 v2, v0  }
0x74: {  	v9 =	vld [tilespmem:s5+$0x4070];
	[tilespmem:s5+$0x4000] =	vst v2;
	v2 =	vmax.f32 v3, v0;
	v3 =	vmin.f32 v4, v1  }
0x75: {  	v10 =	vld [tilespmem:s5+$0x4080];
	[tilespmem:s5+$0x4010] =	vst v2;
	v2 =	vmax.f32 v3, v0;
	v3 =	vmin.f32 v5, v1  }
0x76: {  	v11 =	vld [tilespmem:s5+$0x4090];
	[tilespmem:s5+$0x4020] =	vst v2;
	v2 =	vmax.f32 v3, v0;
	v3 =	vmin.f32 v6, v1  }
0x77: {  	v4 =	vmin.f32 v7, v1;
	[tilespmem:s5+$0x4030] =	vst v2;
	v2 =	vmax.f32 v3, v0;
	v3 =	vld [tilespmem:s5+$0x40A0]  }
0x78: {  	v4 =	vmax.f32 v4, v0;
	v5 =	vmin.f32 v8, v1;
	[tilespmem:s5+$0x4040] =	vst v2;
	v2 =	vld [tilespmem:s5+$0x40B0]  }
0x79: {  	[tilespmem:s5+$0x4050] =	vst v4;
	v5 =	vmax.f32 v5, v0;
	v4 =	vld [tilespmem:s5+$0x40C0];
	v6 =	vmin.f32 v9, v1  }
0x7a: {  	v7 =	vmin.f32 v10, v1;
	[tilespmem:s5+$0x4060] =	vst v5;
	v6 =	vmax.f32 v6, v0;
	v5 =	vld [tilespmem:s5+$0x40D0]  }
0x7b: {  	s6 =	simm.s32 $0x400;
	v7 =	vmax.f32 v7, v0;
	v8 =	vmin.f32 v11, v1;
	[tilespmem:s5+$0x4070] =	vst v6;
	v6 =	vld [tilespmem:s5+$0x40E0]  }
.LBB2_5:
0x7c: {  	s7 =	sshra.s32 s6, $0x2;
	p0 =	sne.s32 s6, $0x7C00;
	[tilespmem:s5+$0x4080] =	vst v7;
	v7 =	vmax.f32 v8, v0;
	v3 =	vmin.f32 v3, v1;
	v8 =	vld [tilespmem:s5+$0x40F0]  }
0x7d: {  	v9 =	vld [tilespmem:s7+$0x4000];
	[tilespmem:s5+$0x4090] =	vst v7;
	v3 =	vmax.f32 v3, v0;
	v2 =	vmin.f32 v2, v1  }
0x7e: {  	v7 =	vld [tilespmem:s7+$0x4010];
	[tilespmem:s5+$0x40A0] =	vst v3;
	v2 =	vmax.f32 v2, v0;
	v3 =	vmin.f32 v4, v1  }
0x7f: {  	v4 =	vld [tilespmem:s7+$0x4020];
	[tilespmem:s5+$0x40B0] =	vst v2;
	v2 =	vmax.f32 v3, v0;
	v3 =	vmin.f32 v5, v1  }
0x80: {  	v5 =	vld [tilespmem:s7+$0x4030];
	[tilespmem:s5+$0x40C0] =	vst v2;
	v2 =	vmax.f32 v3, v0;
	v3 =	vmin.f32 v6, v1  }
0x81: {  	v6 =	vld [tilespmem:s7+$0x4040];
	[tilespmem:s5+$0x40D0] =	vst v2;
	v2 =	vmax.f32 v3, v0;
	v3 =	vmin.f32 v8, v1  }
0x82: {  	v8 =	vmin.f32 v9, v1;
	v9 =	vld [tilespmem:s7+$0x4050];
	[tilespmem:s5+$0x40E0] =	vst v2;
	v2 =	vmax.f32 v3, v0  }
0x83: {  	v3 =	vmax.f32 v8, v0;
	v7 =	vmin.f32 v7, v1;
	v8 =	vld [tilespmem:s7+$0x4060];
	[tilespmem:s5+$0x40F0] =	vst v2;
	s5 =	smov.u32 s7  }
0x84: {  	[tilespmem:s5+$0x4000] =	vst v3;
	v2 =	vmax.f32 v7, v0;
	v3 =	vmin.f32 v4, v1;
	v4 =	vld [tilespmem:s5+$0x4070]  }
0x85: {  	[tilespmem:s5+$0x4010] =	vst v2;
	v2 =	vmax.f32 v3, v0;
	v3 =	vmin.f32 v5, v1;
	v5 =	vld [tilespmem:s5+$0x4080]  }
0x86: {  	[tilespmem:s5+$0x4020] =	vst v2;
	v2 =	vmax.f32 v3, v0;
	v3 =	vmin.f32 v6, v1;
	v6 =	vld [tilespmem:s5+$0x4090]  }
.Ltmp2:
0x87: {  	[tilespmem:s5+$0x4030] =	vst v2;
	v2 =	vmax.f32 v3, v0;
	v7 =	vmin.f32 v9, v1;
	v3 =	vld [tilespmem:s5+$0x40A0];
	(pc) =	sbr.rel @p0 .LBB2_5-.Ltmp2, $4  }
0x88: {  	[tilespmem:s5+$0x4040] =	vst v2;
	v7 =	vmax.f32 v7, v0;
	v8 =	vmin.f32 v8, v1;
	v2 =	vld [tilespmem:s5+$0x40B0]  }
0x89: {  	[tilespmem:s5+$0x4050] =	vst v7;
	v7 =	vmax.f32 v8, v0;
	v8 =	vmin.f32 v4, v1;
	v4 =	vld [tilespmem:s5+$0x40C0]  }
0x8a: {  	[tilespmem:s5+$0x4060] =	vst v7;
	v7 =	vmax.f32 v8, v0;
	v8 =	vmin.f32 v5, v1;
	v5 =	vld [tilespmem:s5+$0x40D0]  }
0x8b: {  	s6 =	sadd.s32 $0x400, s6;
	[tilespmem:s5+$0x4070] =	vst v7;
	v7 =	vmax.f32 v8, v0;
	v8 =	vmin.f32 v6, v1;
	v6 =	vld [tilespmem:s5+$0x40E0]  }
0x8c: {  	[tilespmem:s5+$0x4080] =	vst v7;
	v7 =	vmax.f32 v8, v0;
	v3 =	vmin.f32 v3, v1;
	v8 =	vld [tilespmem:s5+$0x40F0]  }
0x8d: {  	[tilespmem:s5+$0x4090] =	vst v7;
	v3 =	vmax.f32 v3, v0;
	v2 =	vmin.f32 v2, v1  }
0x8e: {  	[tilespmem:s5+$0x40A0] =	vst v3;
	v2 =	vmax.f32 v2, v0;
	v3 =	vmin.f32 v4, v1  }
0x8f: {  	[tilespmem:s5+$0x40B0] =	vst v2;
	v2 =	vmax.f32 v3, v0;
	v3 =	vmin.f32 v5, v1  }
0x90: {  	[tilespmem:s5+$0x40C0] =	vst v2;
	v2 =	vmax.f32 v3, v0;
	v3 =	vmin.f32 v6, v1  }
0x91: {  	[tilespmem:s5+$0x40D0] =	vst v2;
	v2 =	vmax.f32 v3, v0;
	v3 =	vmin.f32 v8, v1  }
0x92: {  	s4 =	sadd.s32 s2, s4;
	[tilespmem:s5+$0x40E0] =	vst v2;
	v2 =	vmax.f32 v3, v0  }
0x93: {  	s30 =	simm.s32 $0x0;
	s6 =	simm.s32 $0x4000;
	s31 =	simm.s32 $0x4;
	[tilespmem:s5+$0x40F0] =	vst v2  }
0x94: {  	[hbm4b:s4+s30] =	stream.linear.scatter [tilespmem:s6], [sflag:$0x6], $0x2000, $0x38;
	[tilespmem:$0x8080] =	vst v63  }
0x95: {  	_ =	swait.ge [sflag:s31], $0x2000  }
0x96: {  	[sflag:s31] =	ssyncset.done $0x0  }
0x97: {  	s4 =	simm.s32 $0x0;
	[sflag:s31] =	ssyncadd.s32 $0xFFFFE000  }
0x98: {  	v2 =	vld [tilespmem:s4+$0x6000]  }
0x99: {  	v3 =	vld [tilespmem:s4+$0x6010]  }
0x9a: {  	v4 =	vld [tilespmem:s4+$0x6020]  }
0x9b: {  	v5 =	vld [tilespmem:s4+$0x6030]  }
0x9c: {  	v6 =	vld [tilespmem:s4+$0x6040]  }
0x9d: {  	v7 =	vld [tilespmem:s4+$0x6050];
	v2 =	vmin.f32 v2, v1  }
0x9e: {  	v8 =	vld [tilespmem:s4+$0x6060];
	v3 =	vmin.f32 v3, v1;
	v2 =	vmax.f32 v2, v0  }
0x9f: {  	v9 =	vld [tilespmem:s4+$0x6070];
	[tilespmem:s4+$0x6000] =	vst v2;
	v2 =	vmax.f32 v3, v0;
	v3 =	vmin.f32 v4, v1  }
0xa0: {  	v10 =	vld [tilespmem:s4+$0x6080];
	[tilespmem:s4+$0x6010] =	vst v2;
	v2 =	vmax.f32 v3, v0;
	v3 =	vmin.f32 v5, v1  }
0xa1: {  	v11 =	vld [tilespmem:s4+$0x6090];
	[tilespmem:s4+$0x6020] =	vst v2;
	v2 =	vmax.f32 v3, v0;
	v3 =	vmin.f32 v6, v1  }
0xa2: {  	v4 =	vmin.f32 v7, v1;
	[tilespmem:s4+$0x6030] =	vst v2;
	v2 =	vmax.f32 v3, v0;
	v3 =	vld [tilespmem:s4+$0x60A0]  }
0xa3: {  	v4 =	vmax.f32 v4, v0;
	v5 =	vmin.f32 v8, v1;
	[tilespmem:s4+$0x6040] =	vst v2;
	v2 =	vld [tilespmem:s4+$0x60B0]  }
0xa4: {  	[tilespmem:s4+$0x6050] =	vst v4;
	v5 =	vmax.f32 v5, v0;
	v4 =	vld [tilespmem:s4+$0x60C0];
	v6 =	vmin.f32 v9, v1  }
0xa5: {  	v7 =	vmin.f32 v10, v1;
	[tilespmem:s4+$0x6060] =	vst v5;
	v6 =	vmax.f32 v6, v0;
	v5 =	vld [tilespmem:s4+$0x60D0]  }
0xa6: {  	s5 =	simm.s32 $0x400;
	v7 =	vmax.f32 v7, v0;
	v8 =	vmin.f32 v11, v1;
	[tilespmem:s4+$0x6070] =	vst v6;
	v6 =	vld [tilespmem:s4+$0x60E0]  }
.LBB2_7:
0xa7: {  	s6 =	sshra.s32 s5, $0x2;
	p0 =	sne.s32 s5, $0x7C00;
	[tilespmem:s4+$0x6080] =	vst v7;
	v7 =	vmax.f32 v8, v0;
	v3 =	vmin.f32 v3, v1;
	v8 =	vld [tilespmem:s4+$0x60F0]  }
0xa8: {  	v9 =	vld [tilespmem:s6+$0x6000];
	[tilespmem:s4+$0x6090] =	vst v7;
	v3 =	vmax.f32 v3, v0;
	v2 =	vmin.f32 v2, v1  }
0xa9: {  	v7 =	vld [tilespmem:s6+$0x6010];
	[tilespmem:s4+$0x60A0] =	vst v3;
	v2 =	vmax.f32 v2, v0;
	v3 =	vmin.f32 v4, v1  }
0xaa: {  	v4 =	vld [tilespmem:s6+$0x6020];
	[tilespmem:s4+$0x60B0] =	vst v2;
	v2 =	vmax.f32 v3, v0;
	v3 =	vmin.f32 v5, v1  }
0xab: {  	v5 =	vld [tilespmem:s6+$0x6030];
	[tilespmem:s4+$0x60C0] =	vst v2;
	v2 =	vmax.f32 v3, v0;
	v3 =	vmin.f32 v6, v1  }
0xac: {  	v6 =	vld [tilespmem:s6+$0x6040];
	[tilespmem:s4+$0x60D0] =	vst v2;
	v2 =	vmax.f32 v3, v0;
	v3 =	vmin.f32 v8, v1  }
0xad: {  	v8 =	vmin.f32 v9, v1;
	v9 =	vld [tilespmem:s6+$0x6050];
	[tilespmem:s4+$0x60E0] =	vst v2;
	v2 =	vmax.f32 v3, v0  }
0xae: {  	v3 =	vmax.f32 v8, v0;
	v7 =	vmin.f32 v7, v1;
	v8 =	vld [tilespmem:s6+$0x6060];
	[tilespmem:s4+$0x60F0] =	vst v2;
	s4 =	smov.u32 s6  }
0xaf: {  	[tilespmem:s4+$0x6000] =	vst v3;
	v2 =	vmax.f32 v7, v0;
	v3 =	vmin.f32 v4, v1;
	v4 =	vld [tilespmem:s4+$0x6070]  }
0xb0: {  	[tilespmem:s4+$0x6010] =	vst v2;
	v2 =	vmax.f32 v3, v0;
	v3 =	vmin.f32 v5, v1;
	v5 =	vld [tilespmem:s4+$0x6080]  }
0xb1: {  	[tilespmem:s4+$0x6020] =	vst v2;
	v2 =	vmax.f32 v3, v0;
	v3 =	vmin.f32 v6, v1;
	v6 =	vld [tilespmem:s4+$0x6090]  }
.Ltmp3:
0xb2: {  	[tilespmem:s4+$0x6030] =	vst v2;
	v2 =	vmax.f32 v3, v0;
	v7 =	vmin.f32 v9, v1;
	v3 =	vld [tilespmem:s4+$0x60A0];
	(pc) =	sbr.rel @p0 .LBB2_7-.Ltmp3, $4  }
0xb3: {  	[tilespmem:s4+$0x6040] =	vst v2;
	v7 =	vmax.f32 v7, v0;
	v8 =	vmin.f32 v8, v1;
	v2 =	vld [tilespmem:s4+$0x60B0]  }
0xb4: {  	[tilespmem:s4+$0x6050] =	vst v7;
	v7 =	vmax.f32 v8, v0;
	v8 =	vmin.f32 v4, v1;
	v4 =	vld [tilespmem:s4+$0x60C0]  }
0xb5: {  	[tilespmem:s4+$0x6060] =	vst v7;
	v7 =	vmax.f32 v8, v0;
	v8 =	vmin.f32 v5, v1;
	v5 =	vld [tilespmem:s4+$0x60D0]  }
0xb6: {  	s5 =	sadd.s32 $0x400, s5;
	[tilespmem:s4+$0x6070] =	vst v7;
	v7 =	vmax.f32 v8, v0;
	v8 =	vmin.f32 v6, v1;
	v6 =	vld [tilespmem:s4+$0x60E0]  }
0xb7: {  	[tilespmem:s4+$0x6080] =	vst v7;
	v54 =	vmax.f32 v8, v0;
	v3 =	vmin.f32 v3, v1;
	v55 =	vld [tilespmem:s4+$0x60F0]  }
0xb8: {  	[tilespmem:s4+$0x6090] =	vst v54;
	v3 =	vmax.f32 v3, v0;
	v2 =	vmin.f32 v2, v1  }
0xb9: {  	[tilespmem:s4+$0x60A0] =	vst v3;
	v2 =	vmax.f32 v2, v0;
	v56 =	vmin.f32 v4, v1  }
0xba: {  	[tilespmem:s4+$0x60B0] =	vst v2;
	v57 =	vmax.f32 v56, v0;
	v58 =	vmin.f32 v5, v1  }
0xbb: {  	[tilespmem:s4+$0x60C0] =	vst v57;
	v59 =	vmax.f32 v58, v0;
	v60 =	vmin.f32 v6, v1  }
0xbc: {  	[tilespmem:s4+$0x60D0] =	vst v59;
	v61 =	vmax.f32 v60, v0;
	v62 =	vmin.f32 v55, v1  }
0xbd: {  	s2 =	sadd.s32 s2, s3;
	[tilespmem:s4+$0x60E0] =	vst v61;
	v63 =	vmax.f32 v62, v0  }
0xbe: {  	s29 =	simm.s32 $0x0;
	s30 =	simm.s32 $0x6000;
	s31 =	simm.s32 $0x6;
	[tilespmem:s4+$0x60F0] =	vst v63  }
0xbf: {  	[hbm4b:s2+s29] =	stream.linear.scatter [tilespmem:s30], [sflag:$0x6], $0x2000, $0x38;
	[tilespmem:$0x8080] =	vst v63  }
0xc0: {  	_ =	swait.ge [sflag:s31], $0x2000  }
0xc1: {  	[sflag:s31] =	ssyncset.done $0x0  }
0xc2: {  	[sflag:s31] =	ssyncadd.s32 $0xFFFFE000  }
0xc3: {  	_ =	swait.ge [sflag:s31], $0x2000  }
0xc4: {  	[sflag:s31] =	ssyncset.done $0x0  }
0xc5: {  	[sflag:s31] =	ssyncadd.s32 $0xFFFFE000  }
0xc6: {  	_ =	swait.ge [sflag:s31], $0x2000  }
0xc7: {  	[sflag:s31] =	ssyncset.done $0x0  }
0xc8: {  	[sflag:s31] =	ssyncadd.s32 $0xFFFFE000  }
0xc9: {  	_ =	swait.ge [sflag:s31], $0x2000  }
0xca: {  	[sflag:s31] =	ssyncset.done $0x0  }
0xcb: {  	[sflag:s31] =	ssyncadd.s32 $0xFFFFE000  }
0xcc: {  	_ =	sfence.sel $0x180000  }
0xcd: {  	[bflag:$0x0] =	sbarrier.arrive $0xFFFF  }
0xce: {  	p0 =	sne.s32 s1, $0x0;
	_ =	strace $0x90000047  }
0xcf: {  	s0 =	sadd.s32 @!p0 $0x100000, s0;
	[bflag:$0x2] =	sbarrier.arrive $0xFFFF  }
0xd0: {  	[sflag:s0] =	ssyncadd.tile.s32 @!p0 $0x1;
	_ =	shalt  }
.Lfunc_end2:
_tile_overlayer_lowered:
.L_overlay_start_2:
0xd1: {  	(tag) =	ssettag $0x2  }
0xd2: {  	s0 =	rddreg [dreg:$0x0];
	s2 =	stileid.u32  }
0xd3: {  	s1 =	rddreg [dreg:$0x1];
	p0 =	sne.s32 s2, $0x0  }
0xd4: {  	s3 =	rddreg [dreg:$0x2];
	[bflag:$0x3] =	sbarrier.arrive $0xFFFF;
	s2 =	simm.s32 @!p0 $0x1C07  }
0xd5: {  	[timem:s3], [sflag:s2] =	dma.local @!p0 [hbm:s0], s1  }
0xd6: {  	s0 =	simm.s32 @!p0 $0x7  }
0xd7: {  	_ =	swait.ge @!p0 [sflag:s0], s1  }
0xd8: {  	s1 =	ssub.s32 @!p0 $0x0, s1;
	[sflag:s0] =	ssyncset.done @!p0 $0x0  }
0xd9: {  	[sflag:s0] =	ssyncadd.s32 @!p0 s1  }
0xda: {  	[bflag:$0x3] =	sbarrier.arrive $0xFFFF  }
0xdb: {  	_ =	shalt  }

</sc_bundles>
